<compile_context>
chip_gen: v7x
topology: tpu7x:2x2x1
jax: 0.10.2.dev20260603
libtpu: 0.0.44.dev20260713+nightly
codegen_flags: <defaults>
</compile_context>

<pallas_src>
import functools

import jax
import jax.numpy as jnp
from jax import lax
from jax.experimental import pallas as pl
from jax.experimental.pallas import tpu as pltpu
from jax.experimental.pallas import tpu_sc as plsc

_SEQ = 200
_DIM = 64
_BATCH = 1024
_NC = 2
_NS = 16
_NW = _NC * _NS
_NBB = _BATCH // 128
_WPB = _NW // _NBB
_SPW = _SEQ // _WPB
_LANES = 16
_KV = _DIM // _LANES


def _body(x_hbm, tok_hbm, pos_hbm, out_hbm, idxb, posb, gbuf, tbuf,
          sem_i, sem_g, sem_o):
    wid = lax.axis_index("s") * _NC + lax.axis_index("c")
    bb = wid // _WPB
    s0 = (wid % _WPB) * _SPW
    bcol = bb * 128

    def stage_idx(j, c):
        pltpu.async_copy(
            x_hbm.at[s0 + j, pl.ds(bcol, 128)], idxb.at[j], sem_i
        )
        return c

    lax.fori_loop(0, _SPW, stage_idx, 0)
    pltpu.sync_copy(
        pos_hbm.at[pl.ds(pl.multiple_of(s0 * _DIM, 8), _SPW * _DIM)], posb
    )

    def drain_idx(j, c):
        pltpu.make_async_copy(
            x_hbm.at[s0, pl.ds(bcol, 128)], idxb.at[0], sem_i
        ).wait()
        return c

    lax.fori_loop(0, _SPW, drain_idx, 0)

    def fire_gather(j):
        r = pl.multiple_of((j % 2) * 128, 8)
        pltpu.async_copy(
            tok_hbm.at[idxb.at[j]], gbuf.at[pl.ds(r, 128)], sem_g
        )

    def wait_gather():
        pltpu.make_async_copy(
            tok_hbm.at[idxb.at[0]], gbuf.at[pl.ds(0, 128)], sem_g
        ).wait()

    def wait_out(s):
        pltpu.make_async_copy(
            tbuf.at[pl.ds(0, 8)], out_hbm.at[s, :, bb], sem_o
        ).wait()

    fire_gather(0)
    iot = lax.iota(jnp.int32, 16)
    rot = [(iot + d) & 15 for d in range(16)]

    def unit(j, c):
        p = j % 2
        s = s0 + j

        @pl.when(j < _SPW - 1)
        def _():
            fire_gather(j + 1)

        wait_gather()

        @pl.when(j >= 2)
        def _():
            wait_out(s)

        jb = pl.multiple_of(j * _DIM, 8)
        grows = [iot + (p * 128 + 16 * b8) for b8 in range(8)]
        trows = [iot + (16 * b8) for b8 in range(8)]
        pt8 = p * 8

        def diag(d4, c2):
            for du in range(4):
                rotd = (iot + (d4 * 4 + du)) & 15
                for kc in range(_KV):
                    cv = rotd + (16 * kc)
                    posv = plsc.load_gather(posb, [cv + jb])
                    cvh = (cv >> 3) + pt8
                    cvl = cv & 7
                    for b8 in range(8):
                        v = plsc.load_gather(gbuf, [grows[b8], cv])
                        plsc.store_scatter(tbuf, [cvh, cvl, trows[b8]],
                                           v + posv)
            return c2

        lax.fori_loop(0, 4, diag, 0)
        pltpu.async_copy(
            tbuf.at[pl.ds(pl.multiple_of(pt8, 8), 8)],
            out_hbm.at[s, :, bb], sem_o,
        )
        return c

    lax.fori_loop(0, _SPW, unit, 0)
    wait_out(s0 + _SPW - 2)
    wait_out(s0 + _SPW - 1)


@functools.partial(
    pl.kernel,
    out_type=jax.ShapeDtypeStruct((_SEQ, 8, 8, 8, 128), jnp.float32),
    mesh=plsc.VectorSubcoreMesh(
        core_axis_name="c", subcore_axis_name="s",
        num_cores=_NC, num_subcores=_NS,
    ),
    compiler_params=pltpu.CompilerParams(
        use_tc_tiling_on_sc=False, needs_layout_passes=False,
    ),
    scratch_types=[
        pltpu.VMEM((_SPW, 128), jnp.int32),
        pltpu.VMEM((_SPW * _DIM,), jnp.float32),
        pltpu.VMEM((256, _DIM), jnp.float32),
        pltpu.VMEM((16, 8, 128), jnp.float32),
        pltpu.SemaphoreType.DMA,
        pltpu.SemaphoreType.DMA,
        pltpu.SemaphoreType.DMA,
    ],
)
def _embed(x_hbm, tok_hbm, pos_hbm, out_hbm, idxb, posb, gbuf, tbuf,
           sem_i, sem_g, sem_o):
    _body(x_hbm, tok_hbm, pos_hbm, out_hbm, idxb, posb, gbuf, tbuf,
          sem_i, sem_g, sem_o)


def kernel(x, tok_table, pos_table, pos_indices):
    del pos_indices
    x_t = x.T.astype(jnp.int32)
    pos1d = pos_table.reshape(-1)
    out5 = _embed(x_t, tok_table, pos1d)
    return out5.transpose(2, 4, 0, 1, 3).reshape(_BATCH, _SEQ, _DIM)

# --- scband reference (transcript-rebuilt; emitter-appended) ---
"""Pipeline reference for scband-position-embedding-fixed-weights-86234353369676 (READ-ONLY COPY).

The authoritative reference and input builder live on the scoring server;
editing this copy changes nothing except your own understanding.
"""

import jax, jax.numpy as jnp
import numpy as np

SEQ_LEN = 200
VOCAB = 100000
DIM = 64
BATCH = 1024


def get_position_encoding(seq_len, d, n=10000):
    # Vectorized equivalent of the torch module's double loop
    k = np.arange(seq_len, dtype=np.float64)[:, None]
    i = np.arange(d // 2, dtype=np.float64)[None, :]
    denom = np.power(float(n), 2.0 * i / d)
    p = np.zeros((seq_len, d), dtype=np.float64)
    p[:, 0::2] = np.sin(k / denom)
    p[:, 1::2] = np.cos(k / denom)
    return jnp.asarray(p, dtype=jnp.float32)


def setup_inputs(seed: int = 0) -> dict:
    key = jax.random.key(seed)
    x = jax.random.randint(key, (BATCH, SEQ_LEN), 0, VOCAB, dtype=jnp.int64 if jax.config.jax_enable_x64 else jnp.int32)
    tok_table = get_position_encoding(VOCAB, DIM)
    pos_table = get_position_encoding(SEQ_LEN, DIM)
    pos_indices = jnp.tile(jnp.arange(SEQ_LEN)[None, :], (BATCH, 1))
    return {"x": x, "tok_table": tok_table, "pos_table": pos_table, "pos_indices": pos_indices}


def reference(x, tok_table, pos_table, pos_indices):
    tok_emb = jnp.take(tok_table, x, axis=0)
    pos_emb = jnp.take(pos_table, pos_indices, axis=0)
    if pos_emb.shape[1] > tok_emb.shape[1]:
        pos_emb = pos_emb[:, 0:tok_emb.shape[1], :]
    emb = tok_emb + pos_emb
    return emb.astype(jnp.float32)

if __name__ == "__main__":
    import jax
    _d = setup_inputs()
    print(jax.jit(kernel)(*tuple(_d.values())))

</pallas_src>

<mosaic_0001>
#map = affine_map<(d0, d1) -> (0, 0)>
#map1 = affine_map<(d0, d1) -> (0)>
#map2 = affine_map<(d0, d1) -> (0, 0, 0, 0, 0)>
module attributes {stable_mosaic.version = 14 : i64} {
  func.func @_embed(%arg0: i32, %arg1: i32, %arg2: memref<200x1024xi32, #tpu.memory_space<hbm>>, %arg3: memref<100000x64xf32, #tpu.memory_space<hbm>>, %arg4: memref<12800xf32, #tpu.memory_space<hbm>>, %arg5: memref<200x8x8x8x128xf32, #tpu.memory_space<hbm>>, %arg6: memref<50x128xi32, #tpu.memory_space<vmem>>, %arg7: memref<3200xf32, #tpu.memory_space<vmem>>, %arg8: memref<256x64xf32, #tpu.memory_space<vmem>>, %arg9: memref<16x8x128xf32, #tpu.memory_space<vmem>>, %arg10: memref<!tpu.dma_semaphore, #tpu.memory_space<semaphore_mem>>, %arg11: memref<!tpu.dma_semaphore, #tpu.memory_space<semaphore_mem>>, %arg12: memref<!tpu.dma_semaphore, #tpu.memory_space<semaphore_mem>>) attributes {dimension_semantics = [#tpu.dimension_semantics<core_parallel>, #tpu.dimension_semantics<subcore_parallel>], iteration_bounds = array<i64: 2, 16>, scalar_prefetch = 0 : i64, scratch_operands = 7 : i64, tpu.core_type = #tpu.core_type<sc_vector_subcore>, window_params = [{transform_indices = #map}, {transform_indices = #map}, {transform_indices = #map1}, {transform_indices = #map2}]} {
    %mul3A = arith.constant 2 : i32
    %mul3A_0 = arith.muli %arg1, %mul3A : i32
    %add3A = arith.addi %mul3A_0, %arg0 : i32
    %jit3A = arith.constant 4 : i32
    %div3A = arith.divsi %add3A, %jit3A : i32
    %sign3A = arith.constant 0 : i32
    %sign3A_1 = arith.cmpi sgt, %add3A, %sign3A : i32
    %sign3A_2 = arith.extui %sign3A_1 : i1 to i32
    %sign3A_3 = arith.constant 0 : i32
    %sign3A_4 = arith.cmpi slt, %add3A, %sign3A_3 : i32
    %sign3A_5 = arith.extui %sign3A_4 : i1 to i32
    %sign3A_6 = arith.subi %sign3A_2, %sign3A_5 : i32
    %sign3A_7 = arith.constant 0 : i32
    %sign3A_8 = arith.cmpi sgt, %jit3A, %sign3A_7 : i32
    %sign3A_9 = arith.extui %sign3A_8 : i1 to i32
    %sign3A_10 = arith.constant 0 : i32
    %sign3A_11 = arith.cmpi slt, %jit3A, %sign3A_10 : i32
    %sign3A_12 = arith.extui %sign3A_11 : i1 to i32
    %sign3A_13 = arith.subi %sign3A_9, %sign3A_12 : i32
    %ne3A = arith.cmpi ne, %sign3A_6, %sign3A_13 : i32
    %rem3A = arith.remsi %add3A, %jit3A : i32
    %ne3A_14 = arith.constant 0 : i32
    %ne3A_15 = arith.cmpi ne, %rem3A, %ne3A_14 : i32
    %and3A = arith.andi %ne3A, %ne3A_15 : i1
    %sub3A = arith.constant 1 : i32
    %sub3A_16 = arith.subi %div3A, %sub3A : i32
    %select_n3A = arith.select %and3A, %sub3A_16, %div3A : i32
    %jit3A_17 = arith.constant 4 : i32
    %eq3A = arith.constant 0 : i32
    %eq3A_18 = arith.cmpi eq, %jit3A_17, %eq3A : i32
    %jit3A_19 = arith.constant 1 : i32
    %select_n3A_20 = arith.select %eq3A_18, %jit3A_19, %jit3A_17 : i32
    %rem3A_21 = arith.remsi %add3A, %select_n3A_20 : i32
    %ne3A_22 = arith.constant 0 : i32
    %ne3A_23 = arith.cmpi ne, %rem3A_21, %ne3A_22 : i32
    %lt3A = arith.constant 0 : i32
    %lt3A_24 = arith.cmpi slt, %rem3A_21, %lt3A : i32
    %lt3A_25 = arith.constant 0 : i32
    %lt3A_26 = arith.cmpi slt, %select_n3A_20, %lt3A_25 : i32
    %ne3A_27 = arith.xori %lt3A_24, %lt3A_26 : i1
    %and3A_28 = arith.andi %ne3A_27, %ne3A_23 : i1
    %add3A_29 = arith.addi %rem3A_21, %select_n3A_20 : i32
    %select_n3A_30 = arith.select %and3A_28, %add3A_29, %rem3A_21 : i32
    %mul3A_31 = arith.constant 50 : i32
    %mul3A_32 = arith.muli %select_n3A_30, %mul3A_31 : i32
    %mul3A_33 = arith.constant 128 : i32
    %mul3A_34 = arith.muli %select_n3A, %mul3A_33 : i32
    %scan3A = arith.constant 0 : i32
    %scan3A_35 = arith.constant 0 : i32
    %scan3A_36 = arith.constant 50 : i32
    %scan3A_37 = arith.addi %scan3A_35, %scan3A_36 : i32
    %scan3A_38 = arith.constant 1 : i32
    scf.for %scan3A_203 = %scan3A_35 to %scan3A_37 step %scan3A_38  : i32 {
      %add3A_204 = arith.addi %mul3A_32, %scan3A_203 : i32
      %dma_start3A_205 = arith.constant 0 : i32
      %dma_start3A_206 = tpu.memref_slice %arg6[%scan3A_203, %dma_start3A_205] : memref<50x128xi32, #tpu.memory_space<vmem>> -> memref<1x128xi32, #tpu.memory_space<vmem>>
      %dma_start3A_207 = tpu.memref_squeeze %dma_start3A_206 : memref<1x128xi32, #tpu.memory_space<vmem>> -> memref<128xi32, #tpu.memory_space<vmem>>
      %dma_start3A_208 = tpu.memref_slice %arg2[%add3A_204, %mul3A_34] : memref<200x1024xi32, #tpu.memory_space<hbm>> -> memref<1x128xi32, #tpu.memory_space<hbm>>
      %dma_start3A_209 = tpu.memref_squeeze %dma_start3A_208 : memref<1x128xi32, #tpu.memory_space<hbm>> -> memref<128xi32, #tpu.memory_space<hbm>>
      %dma_start3A_210 = arith.constant 0 : i32
      %dma_start3A_211 = tpu.memref_slice %arg6[%scan3A_203, %dma_start3A_210] : memref<50x128xi32, #tpu.memory_space<vmem>> -> memref<1x128xi32, #tpu.memory_space<vmem>>
      %dma_start3A_212 = tpu.memref_squeeze %dma_start3A_211 : memref<1x128xi32, #tpu.memory_space<vmem>> -> memref<128xi32, #tpu.memory_space<vmem>>
      %dma_start3A_213 = tpu.memref_slice %arg2[%add3A_204, %mul3A_34] : memref<200x1024xi32, #tpu.memory_space<hbm>> -> memref<1x128xi32, #tpu.memory_space<hbm>>
      %dma_start3A_214 = tpu.memref_squeeze %dma_start3A_213 : memref<1x128xi32, #tpu.memory_space<hbm>> -> memref<128xi32, #tpu.memory_space<hbm>>
      tpu.enqueue_dma source(%dma_start3A_214 : memref<128xi32, #tpu.memory_space<hbm>>) target(%dma_start3A_212 : memref<128xi32, #tpu.memory_space<vmem>>) target_semaphore(%arg10 : memref<!tpu.dma_semaphore, #tpu.memory_space<semaphore_mem>>)
    }
    %scan3A_39 = arith.constant 50 : i32
    %mul3A_40 = arith.constant 64 : i32
    %mul3A_41 = arith.muli %mul3A_32, %mul3A_40 : i32
    %multiple_of3A = tpu.assume_multiple %mul3A_41, 8 : i32
    "tpu.region"() ({
      %run_scoped3A = tpu.sem_alloc : memref<!tpu.dma_semaphore, #tpu.memory_space<semaphore_mem>>
      %dma_start3A_203 = tpu.memref_slice %arg4[%multiple_of3A] : memref<12800xf32, #tpu.memory_space<hbm>> -> memref<3200xf32, #tpu.memory_space<hbm>>
      %dma_start3A_204 = tpu.memref_slice %arg4[%multiple_of3A] : memref<12800xf32, #tpu.memory_space<hbm>> -> memref<3200xf32, #tpu.memory_space<hbm>>
      tpu.enqueue_dma source(%dma_start3A_204 : memref<3200xf32, #tpu.memory_space<hbm>>) target(%arg7 : memref<3200xf32, #tpu.memory_space<vmem>>) target_semaphore(%run_scoped3A : memref<!tpu.dma_semaphore, #tpu.memory_space<semaphore_mem>>)
      %dma_wait3A_205 = tpu.memref_slice %arg4[%multiple_of3A] : memref<12800xf32, #tpu.memory_space<hbm>> -> memref<3200xf32, #tpu.memory_space<hbm>>
      %dma_wait3A_206 = tpu.memref_slice %arg4[%multiple_of3A] : memref<12800xf32, #tpu.memory_space<hbm>> -> memref<3200xf32, #tpu.memory_space<hbm>>
      tpu.wait_dma2 semaphore(%run_scoped3A : memref<!tpu.dma_semaphore, #tpu.memory_space<semaphore_mem>>) src(%dma_wait3A_206 : memref<3200xf32, #tpu.memory_space<hbm>>) dst(%arg7 : memref<3200xf32, #tpu.memory_space<vmem>>)
      tpu.yield
    }) : () -> ()
    %scan3A_42 = arith.constant 0 : i32
    %scan3A_43 = arith.constant 0 : i32
    %scan3A_44 = arith.constant 50 : i32
    %scan3A_45 = arith.addi %scan3A_43, %scan3A_44 : i32
    %scan3A_46 = arith.constant 1 : i32
    scf.for %scan3A_203 = %scan3A_43 to %scan3A_45 step %scan3A_46  : i32 {
      %dma_wait3A_204 = arith.constant 0 : i32
      %dma_wait3A_205 = arith.constant 0 : i32
      %dma_wait3A_206 = tpu.memref_slice %arg6[%dma_wait3A_204, %dma_wait3A_205] : memref<50x128xi32, #tpu.memory_space<vmem>> -> memref<1x128xi32, #tpu.memory_space<vmem>>
      %dma_wait3A_207 = tpu.memref_squeeze %dma_wait3A_206 : memref<1x128xi32, #tpu.memory_space<vmem>> -> memref<128xi32, #tpu.memory_space<vmem>>
      %dma_wait3A_208 = tpu.memref_slice %arg2[%mul3A_32, %mul3A_34] : memref<200x1024xi32, #tpu.memory_space<hbm>> -> memref<1x128xi32, #tpu.memory_space<hbm>>
      %dma_wait3A_209 = tpu.memref_squeeze %dma_wait3A_208 : memref<1x128xi32, #tpu.memory_space<hbm>> -> memref<128xi32, #tpu.memory_space<hbm>>
      %dma_wait3A_210 = arith.constant 0 : i32
      %dma_wait3A_211 = tpu.memref_slice %arg6[%dma_wait3A_204, %dma_wait3A_210] : memref<50x128xi32, #tpu.memory_space<vmem>> -> memref<1x128xi32, #tpu.memory_space<vmem>>
      %dma_wait3A_212 = tpu.memref_squeeze %dma_wait3A_211 : memref<1x128xi32, #tpu.memory_space<vmem>> -> memref<128xi32, #tpu.memory_space<vmem>>
      %dma_wait3A_213 = tpu.memref_slice %arg2[%mul3A_32, %mul3A_34] : memref<200x1024xi32, #tpu.memory_space<hbm>> -> memref<1x128xi32, #tpu.memory_space<hbm>>
      %dma_wait3A_214 = tpu.memref_squeeze %dma_wait3A_213 : memref<1x128xi32, #tpu.memory_space<hbm>> -> memref<128xi32, #tpu.memory_space<hbm>>
      tpu.wait_dma2 semaphore(%arg10 : memref<!tpu.dma_semaphore, #tpu.memory_space<semaphore_mem>>) src(%dma_wait3A_214 : memref<128xi32, #tpu.memory_space<hbm>>) dst(%dma_wait3A_212 : memref<128xi32, #tpu.memory_space<vmem>>)
    }
    %scan3A_47 = arith.constant 50 : i32
    %multiple_of3A_48 = arith.constant 0 : i32
    %multiple_of3A_49 = tpu.assume_multiple %multiple_of3A_48, 8 : i32
    %dma_start3A = arith.constant 0 : i32
    %dma_start3A_50 = arith.constant 0 : i32
    %dma_start3A_51 = tpu.memref_slice %arg8[%multiple_of3A_49, %dma_start3A_50] : memref<256x64xf32, #tpu.memory_space<vmem>> -> memref<128x64xf32, #tpu.memory_space<vmem>>
    %dma_start3A_52 = arith.constant 0 : i32
    %dma_start3A_53 = tpu.memref_slice %arg6[%dma_start3A, %dma_start3A_52] : memref<50x128xi32, #tpu.memory_space<vmem>> -> memref<1x128xi32, #tpu.memory_space<vmem>>
    %dma_start3A_54 = tpu.memref_squeeze %dma_start3A_53 : memref<1x128xi32, #tpu.memory_space<vmem>> -> memref<128xi32, #tpu.memory_space<vmem>>
    %dma_start3A_55 = arith.constant 0 : i32
    %dma_start3A_56 = arith.constant 0 : i32
    %dma_start3A_57 = tpu.memref_slice %arg3[%dma_start3A_55, %dma_start3A_56] : memref<100000x64xf32, #tpu.memory_space<hbm>> -> memref<100000x64xf32, #tpu.memory_space<hbm>>
    tpu.enqueue_indirect_dma source(%dma_start3A_57 : memref<100000x64xf32, #tpu.memory_space<hbm>>) target(%dma_start3A_51 : memref<128x64xf32, #tpu.memory_space<vmem>>) offsets(%dma_start3A_54 : memref<128xi32, #tpu.memory_space<vmem>>) semaphore(%arg11 : memref<!tpu.dma_semaphore, #tpu.memory_space<semaphore_mem>>)
    %iota3A = tpu.iota {dimensions = array<i32: 0>} : vector<16xi32>
    %add3A_58 = arith.constant 0 : i32
    %add3A_59 = vector.broadcast %add3A_58 : i32 to vector<16xi32>
    %add3A_60 = arith.addi %iota3A, %add3A_59 : vector<16xi32>
    %and3A_61 = arith.constant 15 : i32
    %and3A_62 = vector.broadcast %and3A_61 : i32 to vector<16xi32>
    %and3A_63 = arith.andi %add3A_60, %and3A_62 : vector<16xi32>
    %add3A_64 = arith.constant 1 : i32
    %add3A_65 = vector.broadcast %add3A_64 : i32 to vector<16xi32>
    %add3A_66 = arith.addi %iota3A, %add3A_65 : vector<16xi32>
    %and3A_67 = arith.constant 15 : i32
    %and3A_68 = vector.broadcast %and3A_67 : i32 to vector<16xi32>
    %and3A_69 = arith.andi %add3A_66, %and3A_68 : vector<16xi32>
    %add3A_70 = arith.constant 2 : i32
    %add3A_71 = vector.broadcast %add3A_70 : i32 to vector<16xi32>
    %add3A_72 = arith.addi %iota3A, %add3A_71 : vector<16xi32>
    %and3A_73 = arith.constant 15 : i32
    %and3A_74 = vector.broadcast %and3A_73 : i32 to vector<16xi32>
    %and3A_75 = arith.andi %add3A_72, %and3A_74 : vector<16xi32>
    %add3A_76 = arith.constant 3 : i32
    %add3A_77 = vector.broadcast %add3A_76 : i32 to vector<16xi32>
    %add3A_78 = arith.addi %iota3A, %add3A_77 : vector<16xi32>
    %and3A_79 = arith.constant 15 : i32
    %and3A_80 = vector.broadcast %and3A_79 : i32 to vector<16xi32>
    %and3A_81 = arith.andi %add3A_78, %and3A_80 : vector<16xi32>
    %add3A_82 = arith.constant 4 : i32
    %add3A_83 = vector.broadcast %add3A_82 : i32 to vector<16xi32>
    %add3A_84 = arith.addi %iota3A, %add3A_83 : vector<16xi32>
    %and3A_85 = arith.constant 15 : i32
    %and3A_86 = vector.broadcast %and3A_85 : i32 to vector<16xi32>
    %and3A_87 = arith.andi %add3A_84, %and3A_86 : vector<16xi32>
    %add3A_88 = arith.constant 5 : i32
    %add3A_89 = vector.broadcast %add3A_88 : i32 to vector<16xi32>
    %add3A_90 = arith.addi %iota3A, %add3A_89 : vector<16xi32>
    %and3A_91 = arith.constant 15 : i32
    %and3A_92 = vector.broadcast %and3A_91 : i32 to vector<16xi32>
    %and3A_93 = arith.andi %add3A_90, %and3A_92 : vector<16xi32>
    %add3A_94 = arith.constant 6 : i32
    %add3A_95 = vector.broadcast %add3A_94 : i32 to vector<16xi32>
    %add3A_96 = arith.addi %iota3A, %add3A_95 : vector<16xi32>
    %and3A_97 = arith.constant 15 : i32
    %and3A_98 = vector.broadcast %and3A_97 : i32 to vector<16xi32>
    %and3A_99 = arith.andi %add3A_96, %and3A_98 : vector<16xi32>
    %add3A_100 = arith.constant 7 : i32
    %add3A_101 = vector.broadcast %add3A_100 : i32 to vector<16xi32>
    %add3A_102 = arith.addi %iota3A, %add3A_101 : vector<16xi32>
    %and3A_103 = arith.constant 15 : i32
    %and3A_104 = vector.broadcast %and3A_103 : i32 to vector<16xi32>
    %and3A_105 = arith.andi %add3A_102, %and3A_104 : vector<16xi32>
    %add3A_106 = arith.constant 8 : i32
    %add3A_107 = vector.broadcast %add3A_106 : i32 to vector<16xi32>
    %add3A_108 = arith.addi %iota3A, %add3A_107 : vector<16xi32>
    %and3A_109 = arith.constant 15 : i32
    %and3A_110 = vector.broadcast %and3A_109 : i32 to vector<16xi32>
    %and3A_111 = arith.andi %add3A_108, %and3A_110 : vector<16xi32>
    %add3A_112 = arith.constant 9 : i32
    %add3A_113 = vector.broadcast %add3A_112 : i32 to vector<16xi32>
    %add3A_114 = arith.addi %iota3A, %add3A_113 : vector<16xi32>
    %and3A_115 = arith.constant 15 : i32
    %and3A_116 = vector.broadcast %and3A_115 : i32 to vector<16xi32>
    %and3A_117 = arith.andi %add3A_114, %and3A_116 : vector<16xi32>
    %add3A_118 = arith.constant 10 : i32
    %add3A_119 = vector.broadcast %add3A_118 : i32 to vector<16xi32>
    %add3A_120 = arith.addi %iota3A, %add3A_119 : vector<16xi32>
    %and3A_121 = arith.constant 15 : i32
    %and3A_122 = vector.broadcast %and3A_121 : i32 to vector<16xi32>
    %and3A_123 = arith.andi %add3A_120, %and3A_122 : vector<16xi32>
    %add3A_124 = arith.constant 11 : i32
    %add3A_125 = vector.broadcast %add3A_124 : i32 to vector<16xi32>
    %add3A_126 = arith.addi %iota3A, %add3A_125 : vector<16xi32>
    %and3A_127 = arith.constant 15 : i32
    %and3A_128 = vector.broadcast %and3A_127 : i32 to vector<16xi32>
    %and3A_129 = arith.andi %add3A_126, %and3A_128 : vector<16xi32>
    %add3A_130 = arith.constant 12 : i32
    %add3A_131 = vector.broadcast %add3A_130 : i32 to vector<16xi32>
    %add3A_132 = arith.addi %iota3A, %add3A_131 : vector<16xi32>
    %and3A_133 = arith.constant 15 : i32
    %and3A_134 = vector.broadcast %and3A_133 : i32 to vector<16xi32>
    %and3A_135 = arith.andi %add3A_132, %and3A_134 : vector<16xi32>
    %add3A_136 = arith.constant 13 : i32
    %add3A_137 = vector.broadcast %add3A_136 : i32 to vector<16xi32>
    %add3A_138 = arith.addi %iota3A, %add3A_137 : vector<16xi32>
    %and3A_139 = arith.constant 15 : i32
    %and3A_140 = vector.broadcast %and3A_139 : i32 to vector<16xi32>
    %and3A_141 = arith.andi %add3A_138, %and3A_140 : vector<16xi32>
    %add3A_142 = arith.constant 14 : i32
    %add3A_143 = vector.broadcast %add3A_142 : i32 to vector<16xi32>
    %add3A_144 = arith.addi %iota3A, %add3A_143 : vector<16xi32>
    %and3A_145 = arith.constant 15 : i32
    %and3A_146 = vector.broadcast %and3A_145 : i32 to vector<16xi32>
    %and3A_147 = arith.andi %add3A_144, %and3A_146 : vector<16xi32>
    %add3A_148 = arith.constant 15 : i32
    %add3A_149 = vector.broadcast %add3A_148 : i32 to vector<16xi32>
    %add3A_150 = arith.addi %iota3A, %add3A_149 : vector<16xi32>
    %and3A_151 = arith.constant 15 : i32
    %and3A_152 = vector.broadcast %and3A_151 : i32 to vector<16xi32>
    %and3A_153 = arith.andi %add3A_150, %and3A_152 : vector<16xi32>
    %scan3A_154 = arith.constant 0 : i32
    %scan3A_155 = arith.constant 0 : i32
    %scan3A_156 = arith.constant 50 : i32
    %scan3A_157 = arith.addi %scan3A_155, %scan3A_156 : i32
    %scan3A_158 = arith.constant 1 : i32
    scf.for %scan3A_203 = %scan3A_155 to %scan3A_157 step %scan3A_158  : i32 {
      %jit3A_204 = arith.constant 2 : i32
      %eq3A_205 = arith.constant 0 : i32
      %eq3A_206 = arith.cmpi eq, %jit3A_204, %eq3A_205 : i32
      %jit3A_207 = arith.constant 1 : i32
      %select_n3A_208 = arith.select %eq3A_206, %jit3A_207, %jit3A_204 : i32
      %rem3A_209 = arith.remsi %scan3A_203, %select_n3A_208 : i32
      %ne3A_210 = arith.constant 0 : i32
      %ne3A_211 = arith.cmpi ne, %rem3A_209, %ne3A_210 : i32
      %lt3A_212 = arith.constant 0 : i32
      %lt3A_213 = arith.cmpi slt, %rem3A_209, %lt3A_212 : i32
      %lt3A_214 = arith.constant 0 : i32
      %lt3A_215 = arith.cmpi slt, %select_n3A_208, %lt3A_214 : i32
      %ne3A_216 = arith.xori %lt3A_213, %lt3A_215 : i1
      %and3A_217 = arith.andi %ne3A_216, %ne3A_211 : i1
      %add3A_218 = arith.addi %rem3A_209, %select_n3A_208 : i32
      %select_n3A_219 = arith.select %and3A_217, %add3A_218, %rem3A_209 : i32
      %add3A_220 = arith.addi %mul3A_32, %scan3A_203 : i32
      %lt3A_221 = arith.constant 49 : i32
      %lt3A_222 = arith.cmpi slt, %scan3A_203, %lt3A_221 : i32
      %convert_element_type3A = arith.extui %lt3A_222 : i1 to i32
      %cond3A = arith.constant 0 : i32
      %cond3A_223 = arith.cmpi ne, %convert_element_type3A, %cond3A : i32
      scf.if %cond3A_223 {
        %add3A_338 = arith.constant 1 : i32
        %add3A_339 = arith.addi %scan3A_203, %add3A_338 : i32
        %jit3A_340 = arith.constant 2 : i32
        %eq3A_341 = arith.constant 0 : i32
        %eq3A_342 = arith.cmpi eq, %jit3A_340, %eq3A_341 : i32
        %jit3A_343 = arith.constant 1 : i32
        %select_n3A_344 = arith.select %eq3A_342, %jit3A_343, %jit3A_340 : i32
        %rem3A_345 = arith.remsi %add3A_339, %select_n3A_344 : i32
        %ne3A_346 = arith.constant 0 : i32
        %ne3A_347 = arith.cmpi ne, %rem3A_345, %ne3A_346 : i32
        %lt3A_348 = arith.constant 0 : i32
        %lt3A_349 = arith.cmpi slt, %rem3A_345, %lt3A_348 : i32
        %lt3A_350 = arith.constant 0 : i32
        %lt3A_351 = arith.cmpi slt, %select_n3A_344, %lt3A_350 : i32
        %ne3A_352 = arith.xori %lt3A_349, %lt3A_351 : i1
        %and3A_353 = arith.andi %ne3A_352, %ne3A_347 : i1
        %add3A_354 = arith.addi %rem3A_345, %select_n3A_344 : i32
        %select_n3A_355 = arith.select %and3A_353, %add3A_354, %rem3A_345 : i32
        %mul3A_356 = arith.constant 128 : i32
        %mul3A_357 = arith.muli %select_n3A_355, %mul3A_356 : i32
        %multiple_of3A_358 = tpu.assume_multiple %mul3A_357, 8 : i32
        %dma_start3A_359 = arith.constant 0 : i32
        %dma_start3A_360 = tpu.memref_slice %arg8[%multiple_of3A_358, %dma_start3A_359] : memref<256x64xf32, #tpu.memory_space<vmem>> -> memref<128x64xf32, #tpu.memory_space<vmem>>
        %dma_start3A_361 = arith.constant 0 : i32
        %dma_start3A_362 = tpu.memref_slice %arg6[%add3A_339, %dma_start3A_361] : memref<50x128xi32, #tpu.memory_space<vmem>> -> memref<1x128xi32, #tpu.memory_space<vmem>>
        %dma_start3A_363 = tpu.memref_squeeze %dma_start3A_362 : memref<1x128xi32, #tpu.memory_space<vmem>> -> memref<128xi32, #tpu.memory_space<vmem>>
        %dma_start3A_364 = arith.constant 0 : i32
        %dma_start3A_365 = arith.constant 0 : i32
        %dma_start3A_366 = tpu.memref_slice %arg3[%dma_start3A_364, %dma_start3A_365] : memref<100000x64xf32, #tpu.memory_space<hbm>> -> memref<100000x64xf32, #tpu.memory_space<hbm>>
        tpu.enqueue_indirect_dma source(%dma_start3A_366 : memref<100000x64xf32, #tpu.memory_space<hbm>>) target(%dma_start3A_360 : memref<128x64xf32, #tpu.memory_space<vmem>>) offsets(%dma_start3A_363 : memref<128xi32, #tpu.memory_space<vmem>>) semaphore(%arg11 : memref<!tpu.dma_semaphore, #tpu.memory_space<semaphore_mem>>)
      } else {
      }
      %dma_wait3A_224 = arith.constant 0 : i32
      %dma_wait3A_225 = arith.constant 0 : i32
      %dma_wait3A_226 = arith.constant 0 : i32
      %dma_wait3A_227 = tpu.memref_slice %arg8[%dma_wait3A_225, %dma_wait3A_226] : memref<256x64xf32, #tpu.memory_space<vmem>> -> memref<128x64xf32, #tpu.memory_space<vmem>>
      %dma_wait3A_228 = arith.constant 0 : i32
      %dma_wait3A_229 = tpu.memref_slice %arg6[%dma_wait3A_224, %dma_wait3A_228] : memref<50x128xi32, #tpu.memory_space<vmem>> -> memref<1x128xi32, #tpu.memory_space<vmem>>
      %dma_wait3A_230 = tpu.memref_squeeze %dma_wait3A_229 : memref<1x128xi32, #tpu.memory_space<vmem>> -> memref<128xi32, #tpu.memory_space<vmem>>
      %dma_wait3A_231 = arith.constant 0 : i32
      %dma_wait3A_232 = arith.constant 0 : i32
      %dma_wait3A_233 = tpu.memref_slice %arg3[%dma_wait3A_231, %dma_wait3A_232] : memref<100000x64xf32, #tpu.memory_space<hbm>> -> memref<100000x64xf32, #tpu.memory_space<hbm>>
      tpu.wait_indirect_dma semaphore(%arg11 : memref<!tpu.dma_semaphore, #tpu.memory_space<semaphore_mem>>) src(%dma_wait3A_233 : memref<100000x64xf32, #tpu.memory_space<hbm>>) dst(%dma_wait3A_227 : memref<128x64xf32, #tpu.memory_space<vmem>>)
      %ge3A = arith.constant 2 : i32
      %ge3A_234 = arith.cmpi sge, %scan3A_203, %ge3A : i32
      %convert_element_type3A_235 = arith.extui %ge3A_234 : i1 to i32
      %cond3A_236 = arith.constant 0 : i32
      %cond3A_237 = arith.cmpi ne, %convert_element_type3A_235, %cond3A_236 : i32
      scf.if %cond3A_237 {
        %dma_wait3A_338 = arith.constant 0 : i32
        %dma_wait3A_339 = arith.constant 0 : i32
        %dma_wait3A_340 = arith.constant 0 : i32
        %dma_wait3A_341 = tpu.memref_slice %arg9[%dma_wait3A_338, %dma_wait3A_339, %dma_wait3A_340] : memref<16x8x128xf32, #tpu.memory_space<vmem>> -> memref<8x8x128xf32, #tpu.memory_space<vmem>>
        %dma_wait3A_342 = arith.constant 0 : i32
        %dma_wait3A_343 = arith.constant 0 : i32
        %dma_wait3A_344 = arith.constant 0 : i32
        %dma_wait3A_345 = tpu.memref_slice %arg5[%add3A_220, %dma_wait3A_342, %select_n3A, %dma_wait3A_343, %dma_wait3A_344] : memref<200x8x8x8x128xf32, #tpu.memory_space<hbm>> -> memref<1x8x1x8x128xf32, #tpu.memory_space<hbm>>
        %dma_wait3A_346 = tpu.memref_squeeze %dma_wait3A_345 : memref<1x8x1x8x128xf32, #tpu.memory_space<hbm>> -> memref<8x8x128xf32, #tpu.memory_space<hbm>>
        %dma_wait3A_347 = arith.constant 0 : i32
        %dma_wait3A_348 = arith.constant 0 : i32
        %dma_wait3A_349 = arith.constant 0 : i32
        %dma_wait3A_350 = tpu.memref_slice %arg5[%add3A_220, %dma_wait3A_347, %select_n3A, %dma_wait3A_348, %dma_wait3A_349] : memref<200x8x8x8x128xf32, #tpu.memory_space<hbm>> -> memref<1x8x1x8x128xf32, #tpu.memory_space<hbm>>
        %dma_wait3A_351 = tpu.memref_squeeze %dma_wait3A_350 : memref<1x8x1x8x128xf32, #tpu.memory_space<hbm>> -> memref<8x8x128xf32, #tpu.memory_space<hbm>>
        %dma_wait3A_352 = arith.constant 0 : i32
        %dma_wait3A_353 = arith.constant 0 : i32
        %dma_wait3A_354 = arith.constant 0 : i32
        %dma_wait3A_355 = tpu.memref_slice %arg9[%dma_wait3A_352, %dma_wait3A_353, %dma_wait3A_354] : memref<16x8x128xf32, #tpu.memory_space<vmem>> -> memref<8x8x128xf32, #tpu.memory_space<vmem>>
        tpu.wait_dma2 semaphore(%arg12 : memref<!tpu.dma_semaphore, #tpu.memory_space<semaphore_mem>>) src(%dma_wait3A_355 : memref<8x8x128xf32, #tpu.memory_space<vmem>>) dst(%dma_wait3A_351 : memref<8x8x128xf32, #tpu.memory_space<hbm>>)
      } else {
      }
      %mul3A_238 = arith.constant 64 : i32
      %mul3A_239 = arith.muli %scan3A_203, %mul3A_238 : i32
      %multiple_of3A_240 = tpu.assume_multiple %mul3A_239, 8 : i32
      %mul3A_241 = arith.constant 128 : i32
      %mul3A_242 = arith.muli %select_n3A_219, %mul3A_241 : i32
      %add3A_243 = arith.constant 0 : i32
      %add3A_244 = arith.addi %mul3A_242, %add3A_243 : i32
      %add3A_245 = vector.broadcast %add3A_244 : i32 to vector<16xi32>
      %add3A_246 = arith.addi %iota3A, %add3A_245 : vector<16xi32>
      %mul3A_247 = arith.constant 128 : i32
      %mul3A_248 = arith.muli %select_n3A_219, %mul3A_247 : i32
      %add3A_249 = arith.constant 16 : i32
      %add3A_250 = arith.addi %mul3A_248, %add3A_249 : i32
      %add3A_251 = vector.broadcast %add3A_250 : i32 to vector<16xi32>
      %add3A_252 = arith.addi %iota3A, %add3A_251 : vector<16xi32>
      %mul3A_253 = arith.constant 128 : i32
      %mul3A_254 = arith.muli %select_n3A_219, %mul3A_253 : i32
      %add3A_255 = arith.constant 32 : i32
      %add3A_256 = arith.addi %mul3A_254, %add3A_255 : i32
      %add3A_257 = vector.broadcast %add3A_256 : i32 to vector<16xi32>
      %add3A_258 = arith.addi %iota3A, %add3A_257 : vector<16xi32>
      %mul3A_259 = arith.constant 128 : i32
      %mul3A_260 = arith.muli %select_n3A_219, %mul3A_259 : i32
      %add3A_261 = arith.constant 48 : i32
      %add3A_262 = arith.addi %mul3A_260, %add3A_261 : i32
      %add3A_263 = vector.broadcast %add3A_262 : i32 to vector<16xi32>
      %add3A_264 = arith.addi %iota3A, %add3A_263 : vector<16xi32>
      %mul3A_265 = arith.constant 128 : i32
      %mul3A_266 = arith.muli %select_n3A_219, %mul3A_265 : i32
      %add3A_267 = arith.constant 64 : i32
      %add3A_268 = arith.addi %mul3A_266, %add3A_267 : i32
      %add3A_269 = vector.broadcast %add3A_268 : i32 to vector<16xi32>
      %add3A_270 = arith.addi %iota3A, %add3A_269 : vector<16xi32>
      %mul3A_271 = arith.constant 128 : i32
      %mul3A_272 = arith.muli %select_n3A_219, %mul3A_271 : i32
      %add3A_273 = arith.constant 80 : i32
      %add3A_274 = arith.addi %mul3A_272, %add3A_273 : i32
      %add3A_275 = vector.broadcast %add3A_274 : i32 to vector<16xi32>
      %add3A_276 = arith.addi %iota3A, %add3A_275 : vector<16xi32>
      %mul3A_277 = arith.constant 128 : i32
      %mul3A_278 = arith.muli %select_n3A_219, %mul3A_277 : i32
      %add3A_279 = arith.constant 96 : i32
      %add3A_280 = arith.addi %mul3A_278, %add3A_279 : i32
      %add3A_281 = vector.broadcast %add3A_280 : i32 to vector<16xi32>
      %add3A_282 = arith.addi %iota3A, %add3A_281 : vector<16xi32>
      %mul3A_283 = arith.constant 128 : i32
      %mul3A_284 = arith.muli %select_n3A_219, %mul3A_283 : i32
      %add3A_285 = arith.constant 112 : i32
      %add3A_286 = arith.addi %mul3A_284, %add3A_285 : i32
      %add3A_287 = vector.broadcast %add3A_286 : i32 to vector<16xi32>
      %add3A_288 = arith.addi %iota3A, %add3A_287 : vector<16xi32>
      %add3A_289 = arith.constant 0 : i32
      %add3A_290 = vector.broadcast %add3A_289 : i32 to vector<16xi32>
      %add3A_291 = arith.addi %iota3A, %add3A_290 : vector<16xi32>
      %add3A_292 = arith.constant 16 : i32
      %add3A_293 = vector.broadcast %add3A_292 : i32 to vector<16xi32>
      %add3A_294 = arith.addi %iota3A, %add3A_293 : vector<16xi32>
      %add3A_295 = arith.constant 32 : i32
      %add3A_296 = vector.broadcast %add3A_295 : i32 to vector<16xi32>
      %add3A_297 = arith.addi %iota3A, %add3A_296 : vector<16xi32>
      %add3A_298 = arith.constant 48 : i32
      %add3A_299 = vector.broadcast %add3A_298 : i32 to vector<16xi32>
      %add3A_300 = arith.addi %iota3A, %add3A_299 : vector<16xi32>
      %add3A_301 = arith.constant 64 : i32
      %add3A_302 = vector.broadcast %add3A_301 : i32 to vector<16xi32>
      %add3A_303 = arith.addi %iota3A, %add3A_302 : vector<16xi32>
      %add3A_304 = arith.constant 80 : i32
      %add3A_305 = vector.broadcast %add3A_304 : i32 to vector<16xi32>
      %add3A_306 = arith.addi %iota3A, %add3A_305 : vector<16xi32>
      %add3A_307 = arith.constant 96 : i32
      %add3A_308 = vector.broadcast %add3A_307 : i32 to vector<16xi32>
      %add3A_309 = arith.addi %iota3A, %add3A_308 : vector<16xi32>
      %add3A_310 = arith.constant 112 : i32
      %add3A_311 = vector.broadcast %add3A_310 : i32 to vector<16xi32>
      %add3A_312 = arith.addi %iota3A, %add3A_311 : vector<16xi32>
      %mul3A_313 = arith.constant 8 : i32
      %mul3A_314 = arith.muli %select_n3A_219, %mul3A_313 : i32
      %scan3A_315 = arith.constant 0 : i32
      %scan3A_316 = arith.constant 0 : i32
      %scan3A_317 = arith.constant 4 : i32
      %scan3A_318 = arith.addi %scan3A_316, %scan3A_317 : i32
      %scan3A_319 = arith.constant 1 : i32
      scf.for %scan3A_338 = %scan3A_316 to %scan3A_318 step %scan3A_319  : i32 {
        %mul3A_339 = arith.constant 4 : i32
        %mul3A_340 = arith.muli %scan3A_338, %mul3A_339 : i32
        %add3A_341 = arith.constant 0 : i32
        %add3A_342 = arith.addi %mul3A_340, %add3A_341 : i32
        %add3A_343 = vector.broadcast %add3A_342 : i32 to vector<16xi32>
        %add3A_344 = arith.addi %iota3A, %add3A_343 : vector<16xi32>
        %and3A_345 = arith.constant 15 : i32
        %and3A_346 = vector.broadcast %and3A_345 : i32 to vector<16xi32>
        %and3A_347 = arith.andi %add3A_344, %and3A_346 : vector<16xi32>
        %add3A_348 = arith.constant 0 : i32
        %add3A_349 = vector.broadcast %add3A_348 : i32 to vector<16xi32>
        %add3A_350 = arith.addi %and3A_347, %add3A_349 : vector<16xi32>
        %add3A_351 = vector.broadcast %multiple_of3A_240 : i32 to vector<16xi32>
        %add3A_352 = arith.addi %add3A_350, %add3A_351 : vector<16xi32>
        %gather3A = tpu.vector_load_idx %arg7[%add3A_352] : memref<3200xf32, #tpu.memory_space<vmem>>[vector<16xi32>], vector<16xf32>,
        %shift_right_arithmetic3A = arith.constant 3 : i32
        %shift_right_arithmetic3A_353 = vector.broadcast %shift_right_arithmetic3A : i32 to vector<16xi32>
        %shift_right_arithmetic3A_354 = arith.shrsi %add3A_350, %shift_right_arithmetic3A_353 : vector<16xi32>
        %add3A_355 = vector.broadcast %mul3A_314 : i32 to vector<16xi32>
        %add3A_356 = arith.addi %shift_right_arithmetic3A_354, %add3A_355 : vector<16xi32>
        %and3A_357 = arith.constant 7 : i32
        %and3A_358 = vector.broadcast %and3A_357 : i32 to vector<16xi32>
        %and3A_359 = arith.andi %add3A_350, %and3A_358 : vector<16xi32>
        %gather3A_360 = tpu.vector_load_idx %arg8[%add3A_246, %add3A_350] : memref<256x64xf32, #tpu.memory_space<vmem>>[vector<16xi32>, vector<16xi32>], vector<16xf32>,
        %add3A_361 = arith.addf %gather3A_360, %gather3A : vector<16xf32>
        tpu.vector_store_idx %arg9[%add3A_356, %and3A_359, %add3A_291], %add3A_361 : memref<16x8x128xf32, #tpu.memory_space<vmem>>[vector<16xi32>, vector<16xi32>, vector<16xi32>], vector<16xf32>,
        %gather3A_362 = tpu.vector_load_idx %arg8[%add3A_252, %add3A_350] : memref<256x64xf32, #tpu.memory_space<vmem>>[vector<16xi32>, vector<16xi32>], vector<16xf32>,
        %add3A_363 = arith.addf %gather3A_362, %gather3A : vector<16xf32>
        tpu.vector_store_idx %arg9[%add3A_356, %and3A_359, %add3A_294], %add3A_363 : memref<16x8x128xf32, #tpu.memory_space<vmem>>[vector<16xi32>, vector<16xi32>, vector<16xi32>], vector<16xf32>,
        %gather3A_364 = tpu.vector_load_idx %arg8[%add3A_258, %add3A_350] : memref<256x64xf32, #tpu.memory_space<vmem>>[vector<16xi32>, vector<16xi32>], vector<16xf32>,
        %add3A_365 = arith.addf %gather3A_364, %gather3A : vector<16xf32>
        tpu.vector_store_idx %arg9[%add3A_356, %and3A_359, %add3A_297], %add3A_365 : memref<16x8x128xf32, #tpu.memory_space<vmem>>[vector<16xi32>, vector<16xi32>, vector<16xi32>], vector<16xf32>,
        %gather3A_366 = tpu.vector_load_idx %arg8[%add3A_264, %add3A_350] : memref<256x64xf32, #tpu.memory_space<vmem>>[vector<16xi32>, vector<16xi32>], vector<16xf32>,
        %add3A_367 = arith.addf %gather3A_366, %gather3A : vector<16xf32>
        tpu.vector_store_idx %arg9[%add3A_356, %and3A_359, %add3A_300], %add3A_367 : memref<16x8x128xf32, #tpu.memory_space<vmem>>[vector<16xi32>, vector<16xi32>, vector<16xi32>], vector<16xf32>,
        %gather3A_368 = tpu.vector_load_idx %arg8[%add3A_270, %add3A_350] : memref<256x64xf32, #tpu.memory_space<vmem>>[vector<16xi32>, vector<16xi32>], vector<16xf32>,
        %add3A_369 = arith.addf %gather3A_368, %gather3A : vector<16xf32>
        tpu.vector_store_idx %arg9[%add3A_356, %and3A_359, %add3A_303], %add3A_369 : memref<16x8x128xf32, #tpu.memory_space<vmem>>[vector<16xi32>, vector<16xi32>, vector<16xi32>], vector<16xf32>,
        %gather3A_370 = tpu.vector_load_idx %arg8[%add3A_276, %add3A_350] : memref<256x64xf32, #tpu.memory_space<vmem>>[vector<16xi32>, vector<16xi32>], vector<16xf32>,
        %add3A_371 = arith.addf %gather3A_370, %gather3A : vector<16xf32>
        tpu.vector_store_idx %arg9[%add3A_356, %and3A_359, %add3A_306], %add3A_371 : memref<16x8x128xf32, #tpu.memory_space<vmem>>[vector<16xi32>, vector<16xi32>, vector<16xi32>], vector<16xf32>,
        %gather3A_372 = tpu.vector_load_idx %arg8[%add3A_282, %add3A_350] : memref<256x64xf32, #tpu.memory_space<vmem>>[vector<16xi32>, vector<16xi32>], vector<16xf32>,
        %add3A_373 = arith.addf %gather3A_372, %gather3A : vector<16xf32>
        tpu.vector_store_idx %arg9[%add3A_356, %and3A_359, %add3A_309], %add3A_373 : memref<16x8x128xf32, #tpu.memory_space<vmem>>[vector<16xi32>, vector<16xi32>, vector<16xi32>], vector<16xf32>,
        %gather3A_374 = tpu.vector_load_idx %arg8[%add3A_288, %add3A_350] : memref<256x64xf32, #tpu.memory_space<vmem>>[vector<16xi32>, vector<16xi32>], vector<16xf32>,
        %add3A_375 = arith.addf %gather3A_374, %gather3A : vector<16xf32>
        tpu.vector_store_idx %arg9[%add3A_356, %and3A_359, %add3A_312], %add3A_375 : memref<16x8x128xf32, #tpu.memory_space<vmem>>[vector<16xi32>, vector<16xi32>, vector<16xi32>], vector<16xf32>,
        %add3A_376 = arith.constant 16 : i32
        %add3A_377 = vector.broadcast %add3A_376 : i32 to vector<16xi32>
        %add3A_378 = arith.addi %and3A_347, %add3A_377 : vector<16xi32>
        %add3A_379 = vector.broadcast %multiple_of3A_240 : i32 to vector<16xi32>
        %add3A_380 = arith.addi %add3A_378, %add3A_379 : vector<16xi32>
        %gather3A_381 = tpu.vector_load_idx %arg7[%add3A_380] : memref<3200xf32, #tpu.memory_space<vmem>>[vector<16xi32>], vector<16xf32>,
        %shift_right_arithmetic3A_382 = arith.constant 3 : i32
        %shift_right_arithmetic3A_383 = vector.broadcast %shift_right_arithmetic3A_382 : i32 to vector<16xi32>
        %shift_right_arithmetic3A_384 = arith.shrsi %add3A_378, %shift_right_arithmetic3A_383 : vector<16xi32>
        %add3A_385 = vector.broadcast %mul3A_314 : i32 to vector<16xi32>
        %add3A_386 = arith.addi %shift_right_arithmetic3A_384, %add3A_385 : vector<16xi32>
        %and3A_387 = arith.constant 7 : i32
        %and3A_388 = vector.broadcast %and3A_387 : i32 to vector<16xi32>
        %and3A_389 = arith.andi %add3A_378, %and3A_388 : vector<16xi32>
        %gather3A_390 = tpu.vector_load_idx %arg8[%add3A_246, %add3A_378] : memref<256x64xf32, #tpu.memory_space<vmem>>[vector<16xi32>, vector<16xi32>], vector<16xf32>,
        %add3A_391 = arith.addf %gather3A_390, %gather3A_381 : vector<16xf32>
        tpu.vector_store_idx %arg9[%add3A_386, %and3A_389, %add3A_291], %add3A_391 : memref<16x8x128xf32, #tpu.memory_space<vmem>>[vector<16xi32>, vector<16xi32>, vector<16xi32>], vector<16xf32>,
        %gather3A_392 = tpu.vector_load_idx %arg8[%add3A_252, %add3A_378] : memref<256x64xf32, #tpu.memory_space<vmem>>[vector<16xi32>, vector<16xi32>], vector<16xf32>,
        %add3A_393 = arith.addf %gather3A_392, %gather3A_381 : vector<16xf32>
        tpu.vector_store_idx %arg9[%add3A_386, %and3A_389, %add3A_294], %add3A_393 : memref<16x8x128xf32, #tpu.memory_space<vmem>>[vector<16xi32>, vector<16xi32>, vector<16xi32>], vector<16xf32>,
        %gather3A_394 = tpu.vector_load_idx %arg8[%add3A_258, %add3A_378] : memref<256x64xf32, #tpu.memory_space<vmem>>[vector<16xi32>, vector<16xi32>], vector<16xf32>,
        %add3A_395 = arith.addf %gather3A_394, %gather3A_381 : vector<16xf32>
        tpu.vector_store_idx %arg9[%add3A_386, %and3A_389, %add3A_297], %add3A_395 : memref<16x8x128xf32, #tpu.memory_space<vmem>>[vector<16xi32>, vector<16xi32>, vector<16xi32>], vector<16xf32>,
        %gather3A_396 = tpu.vector_load_idx %arg8[%add3A_264, %add3A_378] : memref<256x64xf32, #tpu.memory_space<vmem>>[vector<16xi32>, vector<16xi32>], vector<16xf32>,
        %add3A_397 = arith.addf %gather3A_396, %gather3A_381 : vector<16xf32>
        tpu.vector_store_idx %arg9[%add3A_386, %and3A_389, %add3A_300], %add3A_397 : memref<16x8x128xf32, #tpu.memory_space<vmem>>[vector<16xi32>, vector<16xi32>, vector<16xi32>], vector<16xf32>,
        %gather3A_398 = tpu.vector_load_idx %arg8[%add3A_270, %add3A_378] : memref<256x64xf32, #tpu.memory_space<vmem>>[vector<16xi32>, vector<16xi32>], vector<16xf32>,
        %add3A_399 = arith.addf %gather3A_398, %gather3A_381 : vector<16xf32>
        tpu.vector_store_idx %arg9[%add3A_386, %and3A_389, %add3A_303], %add3A_399 : memref<16x8x128xf32, #tpu.memory_space<vmem>>[vector<16xi32>, vector<16xi32>, vector<16xi32>], vector<16xf32>,
        %gather3A_400 = tpu.vector_load_idx %arg8[%add3A_276, %add3A_378] : memref<256x64xf32, #tpu.memory_space<vmem>>[vector<16xi32>, vector<16xi32>], vector<16xf32>,
        %add3A_401 = arith.addf %gather3A_400, %gather3A_381 : vector<16xf32>
        tpu.vector_store_idx %arg9[%add3A_386, %and3A_389, %add3A_306], %add3A_401 : memref<16x8x128xf32, #tpu.memory_space<vmem>>[vector<16xi32>, vector<16xi32>, vector<16xi32>], vector<16xf32>,
        %gather3A_402 = tpu.vector_load_idx %arg8[%add3A_282, %add3A_378] : memref<256x64xf32, #tpu.memory_space<vmem>>[vector<16xi32>, vector<16xi32>], vector<16xf32>,
        %add3A_403 = arith.addf %gather3A_402, %gather3A_381 : vector<16xf32>
        tpu.vector_store_idx %arg9[%add3A_386, %and3A_389, %add3A_309], %add3A_403 : memref<16x8x128xf32, #tpu.memory_space<vmem>>[vector<16xi32>, vector<16xi32>, vector<16xi32>], vector<16xf32>,
        %gather3A_404 = tpu.vector_load_idx %arg8[%add3A_288, %add3A_378] : memref<256x64xf32, #tpu.memory_space<vmem>>[vector<16xi32>, vector<16xi32>], vector<16xf32>,
        %add3A_405 = arith.addf %gather3A_404, %gather3A_381 : vector<16xf32>
        tpu.vector_store_idx %arg9[%add3A_386, %and3A_389, %add3A_312], %add3A_405 : memref<16x8x128xf32, #tpu.memory_space<vmem>>[vector<16xi32>, vector<16xi32>, vector<16xi32>], vector<16xf32>,
        %add3A_406 = arith.constant 32 : i32
        %add3A_407 = vector.broadcast %add3A_406 : i32 to vector<16xi32>
        %add3A_408 = arith.addi %and3A_347, %add3A_407 : vector<16xi32>
        %add3A_409 = vector.broadcast %multiple_of3A_240 : i32 to vector<16xi32>
        %add3A_410 = arith.addi %add3A_408, %add3A_409 : vector<16xi32>
        %gather3A_411 = tpu.vector_load_idx %arg7[%add3A_410] : memref<3200xf32, #tpu.memory_space<vmem>>[vector<16xi32>], vector<16xf32>,
        %shift_right_arithmetic3A_412 = arith.constant 3 : i32
        %shift_right_arithmetic3A_413 = vector.broadcast %shift_right_arithmetic3A_412 : i32 to vector<16xi32>
        %shift_right_arithmetic3A_414 = arith.shrsi %add3A_408, %shift_right_arithmetic3A_413 : vector<16xi32>
        %add3A_415 = vector.broadcast %mul3A_314 : i32 to vector<16xi32>
        %add3A_416 = arith.addi %shift_right_arithmetic3A_414, %add3A_415 : vector<16xi32>
        %and3A_417 = arith.constant 7 : i32
        %and3A_418 = vector.broadcast %and3A_417 : i32 to vector<16xi32>
        %and3A_419 = arith.andi %add3A_408, %and3A_418 : vector<16xi32>
        %gather3A_420 = tpu.vector_load_idx %arg8[%add3A_246, %add3A_408] : memref<256x64xf32, #tpu.memory_space<vmem>>[vector<16xi32>, vector<16xi32>], vector<16xf32>,
        %add3A_421 = arith.addf %gather3A_420, %gather3A_411 : vector<16xf32>
        tpu.vector_store_idx %arg9[%add3A_416, %and3A_419, %add3A_291], %add3A_421 : memref<16x8x128xf32, #tpu.memory_space<vmem>>[vector<16xi32>, vector<16xi32>, vector<16xi32>], vector<16xf32>,
        %gather3A_422 = tpu.vector_load_idx %arg8[%add3A_252, %add3A_408] : memref<256x64xf32, #tpu.memory_space<vmem>>[vector<16xi32>, vector<16xi32>], vector<16xf32>,
        %add3A_423 = arith.addf %gather3A_422, %gather3A_411 : vector<16xf32>
        tpu.vector_store_idx %arg9[%add3A_416, %and3A_419, %add3A_294], %add3A_423 : memref<16x8x128xf32, #tpu.memory_space<vmem>>[vector<16xi32>, vector<16xi32>, vector<16xi32>], vector<16xf32>,
        %gather3A_424 = tpu.vector_load_idx %arg8[%add3A_258, %add3A_408] : memref<256x64xf32, #tpu.memory_space<vmem>>[vector<16xi32>, vector<16xi32>], vector<16xf32>,
        %add3A_425 = arith.addf %gather3A_424, %gather3A_411 : vector<16xf32>
        tpu.vector_store_idx %arg9[%add3A_416, %and3A_419, %add3A_297], %add3A_425 : memref<16x8x128xf32, #tpu.memory_space<vmem>>[vector<16xi32>, vector<16xi32>, vector<16xi32>], vector<16xf32>,
        %gather3A_426 = tpu.vector_load_idx %arg8[%add3A_264, %add3A_408] : memref<256x64xf32, #tpu.memory_space<vmem>>[vector<16xi32>, vector<16xi32>], vector<16xf32>,
        %add3A_427 = arith.addf %gather3A_426, %gather3A_411 : vector<16xf32>
        tpu.vector_store_idx %arg9[%add3A_416, %and3A_419, %add3A_300], %add3A_427 : memref<16x8x128xf32, #tpu.memory_space<vmem>>[vector<16xi32>, vector<16xi32>, vector<16xi32>], vector<16xf32>,
        %gather3A_428 = tpu.vector_load_idx %arg8[%add3A_270, %add3A_408] : memref<256x64xf32, #tpu.memory_space<vmem>>[vector<16xi32>, vector<16xi32>], vector<16xf32>,
        %add3A_429 = arith.addf %gather3A_428, %gather3A_411 : vector<16xf32>
        tpu.vector_store_idx %arg9[%add3A_416, %and3A_419, %add3A_303], %add3A_429 : memref<16x8x128xf32, #tpu.memory_space<vmem>>[vector<16xi32>, vector<16xi32>, vector<16xi32>], vector<16xf32>,
        %gather3A_430 = tpu.vector_load_idx %arg8[%add3A_276, %add3A_408] : memref<256x64xf32, #tpu.memory_space<vmem>>[vector<16xi32>, vector<16xi32>], vector<16xf32>,
        %add3A_431 = arith.addf %gather3A_430, %gather3A_411 : vector<16xf32>
        tpu.vector_store_idx %arg9[%add3A_416, %and3A_419, %add3A_306], %add3A_431 : memref<16x8x128xf32, #tpu.memory_space<vmem>>[vector<16xi32>, vector<16xi32>, vector<16xi32>], vector<16xf32>,
        %gather3A_432 = tpu.vector_load_idx %arg8[%add3A_282, %add3A_408] : memref<256x64xf32, #tpu.memory_space<vmem>>[vector<16xi32>, vector<16xi32>], vector<16xf32>,
        %add3A_433 = arith.addf %gather3A_432, %gather3A_411 : vector<16xf32>
        tpu.vector_store_idx %arg9[%add3A_416, %and3A_419, %add3A_309], %add3A_433 : memref<16x8x128xf32, #tpu.memory_space<vmem>>[vector<16xi32>, vector<16xi32>, vector<16xi32>], vector<16xf32>,
        %gather3A_434 = tpu.vector_load_idx %arg8[%add3A_288, %add3A_408] : memref<256x64xf32, #tpu.memory_space<vmem>>[vector<16xi32>, vector<16xi32>], vector<16xf32>,
        %add3A_435 = arith.addf %gather3A_434, %gather3A_411 : vector<16xf32>
        tpu.vector_store_idx %arg9[%add3A_416, %and3A_419, %add3A_312], %add3A_435 : memref<16x8x128xf32, #tpu.memory_space<vmem>>[vector<16xi32>, vector<16xi32>, vector<16xi32>], vector<16xf32>,
        %add3A_436 = arith.constant 48 : i32
        %add3A_437 = vector.broadcast %add3A_436 : i32 to vector<16xi32>
        %add3A_438 = arith.addi %and3A_347, %add3A_437 : vector<16xi32>
        %add3A_439 = vector.broadcast %multiple_of3A_240 : i32 to vector<16xi32>
        %add3A_440 = arith.addi %add3A_438, %add3A_439 : vector<16xi32>
        %gather3A_441 = tpu.vector_load_idx %arg7[%add3A_440] : memref<3200xf32, #tpu.memory_space<vmem>>[vector<16xi32>], vector<16xf32>,
        %shift_right_arithmetic3A_442 = arith.constant 3 : i32
        %shift_right_arithmetic3A_443 = vector.broadcast %shift_right_arithmetic3A_442 : i32 to vector<16xi32>
        %shift_right_arithmetic3A_444 = arith.shrsi %add3A_438, %shift_right_arithmetic3A_443 : vector<16xi32>
        %add3A_445 = vector.broadcast %mul3A_314 : i32 to vector<16xi32>
        %add3A_446 = arith.addi %shift_right_arithmetic3A_444, %add3A_445 : vector<16xi32>
        %and3A_447 = arith.constant 7 : i32
        %and3A_448 = vector.broadcast %and3A_447 : i32 to vector<16xi32>
        %and3A_449 = arith.andi %add3A_438, %and3A_448 : vector<16xi32>
        %gather3A_450 = tpu.vector_load_idx %arg8[%add3A_246, %add3A_438] : memref<256x64xf32, #tpu.memory_space<vmem>>[vector<16xi32>, vector<16xi32>], vector<16xf32>,
        %add3A_451 = arith.addf %gather3A_450, %gather3A_441 : vector<16xf32>
        tpu.vector_store_idx %arg9[%add3A_446, %and3A_449, %add3A_291], %add3A_451 : memref<16x8x128xf32, #tpu.memory_space<vmem>>[vector<16xi32>, vector<16xi32>, vector<16xi32>], vector<16xf32>,
        %gather3A_452 = tpu.vector_load_idx %arg8[%add3A_252, %add3A_438] : memref<256x64xf32, #tpu.memory_space<vmem>>[vector<16xi32>, vector<16xi32>], vector<16xf32>,
        %add3A_453 = arith.addf %gather3A_452, %gather3A_441 : vector<16xf32>
        tpu.vector_store_idx %arg9[%add3A_446, %and3A_449, %add3A_294], %add3A_453 : memref<16x8x128xf32, #tpu.memory_space<vmem>>[vector<16xi32>, vector<16xi32>, vector<16xi32>], vector<16xf32>,
        %gather3A_454 = tpu.vector_load_idx %arg8[%add3A_258, %add3A_438] : memref<256x64xf32, #tpu.memory_space<vmem>>[vector<16xi32>, vector<16xi32>], vector<16xf32>,
        %add3A_455 = arith.addf %gather3A_454, %gather3A_441 : vector<16xf32>
        tpu.vector_store_idx %arg9[%add3A_446, %and3A_449, %add3A_297], %add3A_455 : memref<16x8x128xf32, #tpu.memory_space<vmem>>[vector<16xi32>, vector<16xi32>, vector<16xi32>], vector<16xf32>,
        %gather3A_456 = tpu.vector_load_idx %arg8[%add3A_264, %add3A_438] : memref<256x64xf32, #tpu.memory_space<vmem>>[vector<16xi32>, vector<16xi32>], vector<16xf32>,
        %add3A_457 = arith.addf %gather3A_456, %gather3A_441 : vector<16xf32>
        tpu.vector_store_idx %arg9[%add3A_446, %and3A_449, %add3A_300], %add3A_457 : memref<16x8x128xf32, #tpu.memory_space<vmem>>[vector<16xi32>, vector<16xi32>, vector<16xi32>], vector<16xf32>,
        %gather3A_458 = tpu.vector_load_idx %arg8[%add3A_270, %add3A_438] : memref<256x64xf32, #tpu.memory_space<vmem>>[vector<16xi32>, vector<16xi32>], vector<16xf32>,
        %add3A_459 = arith.addf %gather3A_458, %gather3A_441 : vector<16xf32>
        tpu.vector_store_idx %arg9[%add3A_446, %and3A_449, %add3A_303], %add3A_459 : memref<16x8x128xf32, #tpu.memory_space<vmem>>[vector<16xi32>, vector<16xi32>, vector<16xi32>], vector<16xf32>,
        %gather3A_460 = tpu.vector_load_idx %arg8[%add3A_276, %add3A_438] : memref<256x64xf32, #tpu.memory_space<vmem>>[vector<16xi32>, vector<16xi32>], vector<16xf32>,
        %add3A_461 = arith.addf %gather3A_460, %gather3A_441 : vector<16xf32>
        tpu.vector_store_idx %arg9[%add3A_446, %and3A_449, %add3A_306], %add3A_461 : memref<16x8x128xf32, #tpu.memory_space<vmem>>[vector<16xi32>, vector<16xi32>, vector<16xi32>], vector<16xf32>,
        %gather3A_462 = tpu.vector_load_idx %arg8[%add3A_282, %add3A_438] : memref<256x64xf32, #tpu.memory_space<vmem>>[vector<16xi32>, vector<16xi32>], vector<16xf32>,
        %add3A_463 = arith.addf %gather3A_462, %gather3A_441 : vector<16xf32>
        tpu.vector_store_idx %arg9[%add3A_446, %and3A_449, %add3A_309], %add3A_463 : memref<16x8x128xf32, #tpu.memory_space<vmem>>[vector<16xi32>, vector<16xi32>, vector<16xi32>], vector<16xf32>,
        %gather3A_464 = tpu.vector_load_idx %arg8[%add3A_288, %add3A_438] : memref<256x64xf32, #tpu.memory_space<vmem>>[vector<16xi32>, vector<16xi32>], vector<16xf32>,
        %add3A_465 = arith.addf %gather3A_464, %gather3A_441 : vector<16xf32>
        tpu.vector_store_idx %arg9[%add3A_446, %and3A_449, %add3A_312], %add3A_465 : memref<16x8x128xf32, #tpu.memory_space<vmem>>[vector<16xi32>, vector<16xi32>, vector<16xi32>], vector<16xf32>,
        %mul3A_466 = arith.constant 4 : i32
        %mul3A_467 = arith.muli %scan3A_338, %mul3A_466 : i32
        %add3A_468 = arith.constant 1 : i32
        %add3A_469 = arith.addi %mul3A_467, %add3A_468 : i32
        %add3A_470 = vector.broadcast %add3A_469 : i32 to vector<16xi32>
        %add3A_471 = arith.addi %iota3A, %add3A_470 : vector<16xi32>
        %and3A_472 = arith.constant 15 : i32
        %and3A_473 = vector.broadcast %and3A_472 : i32 to vector<16xi32>
        %and3A_474 = arith.andi %add3A_471, %and3A_473 : vector<16xi32>
        %add3A_475 = arith.constant 0 : i32
        %add3A_476 = vector.broadcast %add3A_475 : i32 to vector<16xi32>
        %add3A_477 = arith.addi %and3A_474, %add3A_476 : vector<16xi32>
        %add3A_478 = vector.broadcast %multiple_of3A_240 : i32 to vector<16xi32>
        %add3A_479 = arith.addi %add3A_477, %add3A_478 : vector<16xi32>
        %gather3A_480 = tpu.vector_load_idx %arg7[%add3A_479] : memref<3200xf32, #tpu.memory_space<vmem>>[vector<16xi32>], vector<16xf32>,
        %shift_right_arithmetic3A_481 = arith.constant 3 : i32
        %shift_right_arithmetic3A_482 = vector.broadcast %shift_right_arithmetic3A_481 : i32 to vector<16xi32>
        %shift_right_arithmetic3A_483 = arith.shrsi %add3A_477, %shift_right_arithmetic3A_482 : vector<16xi32>
        %add3A_484 = vector.broadcast %mul3A_314 : i32 to vector<16xi32>
        %add3A_485 = arith.addi %shift_right_arithmetic3A_483, %add3A_484 : vector<16xi32>
        %and3A_486 = arith.constant 7 : i32
        %and3A_487 = vector.broadcast %and3A_486 : i32 to vector<16xi32>
        %and3A_488 = arith.andi %add3A_477, %and3A_487 : vector<16xi32>
        %gather3A_489 = tpu.vector_load_idx %arg8[%add3A_246, %add3A_477] : memref<256x64xf32, #tpu.memory_space<vmem>>[vector<16xi32>, vector<16xi32>], vector<16xf32>,
        %add3A_490 = arith.addf %gather3A_489, %gather3A_480 : vector<16xf32>
        tpu.vector_store_idx %arg9[%add3A_485, %and3A_488, %add3A_291], %add3A_490 : memref<16x8x128xf32, #tpu.memory_space<vmem>>[vector<16xi32>, vector<16xi32>, vector<16xi32>], vector<16xf32>,
        %gather3A_491 = tpu.vector_load_idx %arg8[%add3A_252, %add3A_477] : memref<256x64xf32, #tpu.memory_space<vmem>>[vector<16xi32>, vector<16xi32>], vector<16xf32>,
        %add3A_492 = arith.addf %gather3A_491, %gather3A_480 : vector<16xf32>
        tpu.vector_store_idx %arg9[%add3A_485, %and3A_488, %add3A_294], %add3A_492 : memref<16x8x128xf32, #tpu.memory_space<vmem>>[vector<16xi32>, vector<16xi32>, vector<16xi32>], vector<16xf32>,
        %gather3A_493 = tpu.vector_load_idx %arg8[%add3A_258, %add3A_477] : memref<256x64xf32, #tpu.memory_space<vmem>>[vector<16xi32>, vector<16xi32>], vector<16xf32>,
        %add3A_494 = arith.addf %gather3A_493, %gather3A_480 : vector<16xf32>
        tpu.vector_store_idx %arg9[%add3A_485, %and3A_488, %add3A_297], %add3A_494 : memref<16x8x128xf32, #tpu.memory_space<vmem>>[vector<16xi32>, vector<16xi32>, vector<16xi32>], vector<16xf32>,
        %gather3A_495 = tpu.vector_load_idx %arg8[%add3A_264, %add3A_477] : memref<256x64xf32, #tpu.memory_space<vmem>>[vector<16xi32>, vector<16xi32>], vector<16xf32>,
        %add3A_496 = arith.addf %gather3A_495, %gather3A_480 : vector<16xf32>
        tpu.vector_store_idx %arg9[%add3A_485, %and3A_488, %add3A_300], %add3A_496 : memref<16x8x128xf32, #tpu.memory_space<vmem>>[vector<16xi32>, vector<16xi32>, vector<16xi32>], vector<16xf32>,
        %gather3A_497 = tpu.vector_load_idx %arg8[%add3A_270, %add3A_477] : memref<256x64xf32, #tpu.memory_space<vmem>>[vector<16xi32>, vector<16xi32>], vector<16xf32>,
        %add3A_498 = arith.addf %gather3A_497, %gather3A_480 : vector<16xf32>
        tpu.vector_store_idx %arg9[%add3A_485, %and3A_488, %add3A_303], %add3A_498 : memref<16x8x128xf32, #tpu.memory_space<vmem>>[vector<16xi32>, vector<16xi32>, vector<16xi32>], vector<16xf32>,
        %gather3A_499 = tpu.vector_load_idx %arg8[%add3A_276, %add3A_477] : memref<256x64xf32, #tpu.memory_space<vmem>>[vector<16xi32>, vector<16xi32>], vector<16xf32>,
        %add3A_500 = arith.addf %gather3A_499, %gather3A_480 : vector<16xf32>
        tpu.vector_store_idx %arg9[%add3A_485, %and3A_488, %add3A_306], %add3A_500 : memref<16x8x128xf32, #tpu.memory_space<vmem>>[vector<16xi32>, vector<16xi32>, vector<16xi32>], vector<16xf32>,
        %gather3A_501 = tpu.vector_load_idx %arg8[%add3A_282, %add3A_477] : memref<256x64xf32, #tpu.memory_space<vmem>>[vector<16xi32>, vector<16xi32>], vector<16xf32>,
        %add3A_502 = arith.addf %gather3A_501, %gather3A_480 : vector<16xf32>
        tpu.vector_store_idx %arg9[%add3A_485, %and3A_488, %add3A_309], %add3A_502 : memref<16x8x128xf32, #tpu.memory_space<vmem>>[vector<16xi32>, vector<16xi32>, vector<16xi32>], vector<16xf32>,
        %gather3A_503 = tpu.vector_load_idx %arg8[%add3A_288, %add3A_477] : memref<256x64xf32, #tpu.memory_space<vmem>>[vector<16xi32>, vector<16xi32>], vector<16xf32>,
        %add3A_504 = arith.addf %gather3A_503, %gather3A_480 : vector<16xf32>
        tpu.vector_store_idx %arg9[%add3A_485, %and3A_488, %add3A_312], %add3A_504 : memref<16x8x128xf32, #tpu.memory_space<vmem>>[vector<16xi32>, vector<16xi32>, vector<16xi32>], vector<16xf32>,
        %add3A_505 = arith.constant 16 : i32
        %add3A_506 = vector.broadcast %add3A_505 : i32 to vector<16xi32>
        %add3A_507 = arith.addi %and3A_474, %add3A_506 : vector<16xi32>
        %add3A_508 = vector.broadcast %multiple_of3A_240 : i32 to vector<16xi32>
        %add3A_509 = arith.addi %add3A_507, %add3A_508 : vector<16xi32>
        %gather3A_510 = tpu.vector_load_idx %arg7[%add3A_509] : memref<3200xf32, #tpu.memory_space<vmem>>[vector<16xi32>], vector<16xf32>,
        %shift_right_arithmetic3A_511 = arith.constant 3 : i32
        %shift_right_arithmetic3A_512 = vector.broadcast %shift_right_arithmetic3A_511 : i32 to vector<16xi32>
        %shift_right_arithmetic3A_513 = arith.shrsi %add3A_507, %shift_right_arithmetic3A_512 : vector<16xi32>
        %add3A_514 = vector.broadcast %mul3A_314 : i32 to vector<16xi32>
        %add3A_515 = arith.addi %shift_right_arithmetic3A_513, %add3A_514 : vector<16xi32>
        %and3A_516 = arith.constant 7 : i32
        %and3A_517 = vector.broadcast %and3A_516 : i32 to vector<16xi32>
        %and3A_518 = arith.andi %add3A_507, %and3A_517 : vector<16xi32>
        %gather3A_519 = tpu.vector_load_idx %arg8[%add3A_246, %add3A_507] : memref<256x64xf32, #tpu.memory_space<vmem>>[vector<16xi32>, vector<16xi32>], vector<16xf32>,
        %add3A_520 = arith.addf %gather3A_519, %gather3A_510 : vector<16xf32>
        tpu.vector_store_idx %arg9[%add3A_515, %and3A_518, %add3A_291], %add3A_520 : memref<16x8x128xf32, #tpu.memory_space<vmem>>[vector<16xi32>, vector<16xi32>, vector<16xi32>], vector<16xf32>,
        %gather3A_521 = tpu.vector_load_idx %arg8[%add3A_252, %add3A_507] : memref<256x64xf32, #tpu.memory_space<vmem>>[vector<16xi32>, vector<16xi32>], vector<16xf32>,
        %add3A_522 = arith.addf %gather3A_521, %gather3A_510 : vector<16xf32>
        tpu.vector_store_idx %arg9[%add3A_515, %and3A_518, %add3A_294], %add3A_522 : memref<16x8x128xf32, #tpu.memory_space<vmem>>[vector<16xi32>, vector<16xi32>, vector<16xi32>], vector<16xf32>,
        %gather3A_523 = tpu.vector_load_idx %arg8[%add3A_258, %add3A_507] : memref<256x64xf32, #tpu.memory_space<vmem>>[vector<16xi32>, vector<16xi32>], vector<16xf32>,
        %add3A_524 = arith.addf %gather3A_523, %gather3A_510 : vector<16xf32>
        tpu.vector_store_idx %arg9[%add3A_515, %and3A_518, %add3A_297], %add3A_524 : memref<16x8x128xf32, #tpu.memory_space<vmem>>[vector<16xi32>, vector<16xi32>, vector<16xi32>], vector<16xf32>,
        %gather3A_525 = tpu.vector_load_idx %arg8[%add3A_264, %add3A_507] : memref<256x64xf32, #tpu.memory_space<vmem>>[vector<16xi32>, vector<16xi32>], vector<16xf32>,
        %add3A_526 = arith.addf %gather3A_525, %gather3A_510 : vector<16xf32>
        tpu.vector_store_idx %arg9[%add3A_515, %and3A_518, %add3A_300], %add3A_526 : memref<16x8x128xf32, #tpu.memory_space<vmem>>[vector<16xi32>, vector<16xi32>, vector<16xi32>], vector<16xf32>,
        %gather3A_527 = tpu.vector_load_idx %arg8[%add3A_270, %add3A_507] : memref<256x64xf32, #tpu.memory_space<vmem>>[vector<16xi32>, vector<16xi32>], vector<16xf32>,
        %add3A_528 = arith.addf %gather3A_527, %gather3A_510 : vector<16xf32>
        tpu.vector_store_idx %arg9[%add3A_515, %and3A_518, %add3A_303], %add3A_528 : memref<16x8x128xf32, #tpu.memory_space<vmem>>[vector<16xi32>, vector<16xi32>, vector<16xi32>], vector<16xf32>,
        %gather3A_529 = tpu.vector_load_idx %arg8[%add3A_276, %add3A_507] : memref<256x64xf32, #tpu.memory_space<vmem>>[vector<16xi32>, vector<16xi32>], vector<16xf32>,
        %add3A_530 = arith.addf %gather3A_529, %gather3A_510 : vector<16xf32>
        tpu.vector_store_idx %arg9[%add3A_515, %and3A_518, %add3A_306], %add3A_530 : memref<16x8x128xf32, #tpu.memory_space<vmem>>[vector<16xi32>, vector<16xi32>, vector<16xi32>], vector<16xf32>,
        %gather3A_531 = tpu.vector_load_idx %arg8[%add3A_282, %add3A_507] : memref<256x64xf32, #tpu.memory_space<vmem>>[vector<16xi32>, vector<16xi32>], vector<16xf32>,
        %add3A_532 = arith.addf %gather3A_531, %gather3A_510 : vector<16xf32>
        tpu.vector_store_idx %arg9[%add3A_515, %and3A_518, %add3A_309], %add3A_532 : memref<16x8x128xf32, #tpu.memory_space<vmem>>[vector<16xi32>, vector<16xi32>, vector<16xi32>], vector<16xf32>,
        %gather3A_533 = tpu.vector_load_idx %arg8[%add3A_288, %add3A_507] : memref<256x64xf32, #tpu.memory_space<vmem>>[vector<16xi32>, vector<16xi32>], vector<16xf32>,
        %add3A_534 = arith.addf %gather3A_533, %gather3A_510 : vector<16xf32>
        tpu.vector_store_idx %arg9[%add3A_515, %and3A_518, %add3A_312], %add3A_534 : memref<16x8x128xf32, #tpu.memory_space<vmem>>[vector<16xi32>, vector<16xi32>, vector<16xi32>], vector<16xf32>,
        %add3A_535 = arith.constant 32 : i32
        %add3A_536 = vector.broadcast %add3A_535 : i32 to vector<16xi32>
        %add3A_537 = arith.addi %and3A_474, %add3A_536 : vector<16xi32>
        %add3A_538 = vector.broadcast %multiple_of3A_240 : i32 to vector<16xi32>
        %add3A_539 = arith.addi %add3A_537, %add3A_538 : vector<16xi32>
        %gather3A_540 = tpu.vector_load_idx %arg7[%add3A_539] : memref<3200xf32, #tpu.memory_space<vmem>>[vector<16xi32>], vector<16xf32>,
        %shift_right_arithmetic3A_541 = arith.constant 3 : i32
        %shift_right_arithmetic3A_542 = vector.broadcast %shift_right_arithmetic3A_541 : i32 to vector<16xi32>
        %shift_right_arithmetic3A_543 = arith.shrsi %add3A_537, %shift_right_arithmetic3A_542 : vector<16xi32>
        %add3A_544 = vector.broadcast %mul3A_314 : i32 to vector<16xi32>
        %add3A_545 = arith.addi %shift_right_arithmetic3A_543, %add3A_544 : vector<16xi32>
        %and3A_546 = arith.constant 7 : i32
        %and3A_547 = vector.broadcast %and3A_546 : i32 to vector<16xi32>
        %and3A_548 = arith.andi %add3A_537, %and3A_547 : vector<16xi32>
        %gather3A_549 = tpu.vector_load_idx %arg8[%add3A_246, %add3A_537] : memref<256x64xf32, #tpu.memory_space<vmem>>[vector<16xi32>, vector<16xi32>], vector<16xf32>,
        %add3A_550 = arith.addf %gather3A_549, %gather3A_540 : vector<16xf32>
        tpu.vector_store_idx %arg9[%add3A_545, %and3A_548, %add3A_291], %add3A_550 : memref<16x8x128xf32, #tpu.memory_space<vmem>>[vector<16xi32>, vector<16xi32>, vector<16xi32>], vector<16xf32>,
        %gather3A_551 = tpu.vector_load_idx %arg8[%add3A_252, %add3A_537] : memref<256x64xf32, #tpu.memory_space<vmem>>[vector<16xi32>, vector<16xi32>], vector<16xf32>,
        %add3A_552 = arith.addf %gather3A_551, %gather3A_540 : vector<16xf32>
        tpu.vector_store_idx %arg9[%add3A_545, %and3A_548, %add3A_294], %add3A_552 : memref<16x8x128xf32, #tpu.memory_space<vmem>>[vector<16xi32>, vector<16xi32>, vector<16xi32>], vector<16xf32>,
        %gather3A_553 = tpu.vector_load_idx %arg8[%add3A_258, %add3A_537] : memref<256x64xf32, #tpu.memory_space<vmem>>[vector<16xi32>, vector<16xi32>], vector<16xf32>,
        %add3A_554 = arith.addf %gather3A_553, %gather3A_540 : vector<16xf32>
        tpu.vector_store_idx %arg9[%add3A_545, %and3A_548, %add3A_297], %add3A_554 : memref<16x8x128xf32, #tpu.memory_space<vmem>>[vector<16xi32>, vector<16xi32>, vector<16xi32>], vector<16xf32>,
        %gather3A_555 = tpu.vector_load_idx %arg8[%add3A_264, %add3A_537] : memref<256x64xf32, #tpu.memory_space<vmem>>[vector<16xi32>, vector<16xi32>], vector<16xf32>,
        %add3A_556 = arith.addf %gather3A_555, %gather3A_540 : vector<16xf32>
        tpu.vector_store_idx %arg9[%add3A_545, %and3A_548, %add3A_300], %add3A_556 : memref<16x8x128xf32, #tpu.memory_space<vmem>>[vector<16xi32>, vector<16xi32>, vector<16xi32>], vector<16xf32>,
        %gather3A_557 = tpu.vector_load_idx %arg8[%add3A_270, %add3A_537] : memref<256x64xf32, #tpu.memory_space<vmem>>[vector<16xi32>, vector<16xi32>], vector<16xf32>,
        %add3A_558 = arith.addf %gather3A_557, %gather3A_540 : vector<16xf32>
        tpu.vector_store_idx %arg9[%add3A_545, %and3A_548, %add3A_303], %add3A_558 : memref<16x8x128xf32, #tpu.memory_space<vmem>>[vector<16xi32>, vector<16xi32>, vector<16xi32>], vector<16xf32>,
        %gather3A_559 = tpu.vector_load_idx %arg8[%add3A_276, %add3A_537] : memref<256x64xf32, #tpu.memory_space<vmem>>[vector<16xi32>, vector<16xi32>], vector<16xf32>,
        %add3A_560 = arith.addf %gather3A_559, %gather3A_540 : vector<16xf32>
        tpu.vector_store_idx %arg9[%add3A_545, %and3A_548, %add3A_306], %add3A_560 : memref<16x8x128xf32, #tpu.memory_space<vmem>>[vector<16xi32>, vector<16xi32>, vector<16xi32>], vector<16xf32>,
        %gather3A_561 = tpu.vector_load_idx %arg8[%add3A_282, %add3A_537] : memref<256x64xf32, #tpu.memory_space<vmem>>[vector<16xi32>, vector<16xi32>], vector<16xf32>,
        %add3A_562 = arith.addf %gather3A_561, %gather3A_540 : vector<16xf32>
        tpu.vector_store_idx %arg9[%add3A_545, %and3A_548, %add3A_309], %add3A_562 : memref<16x8x128xf32, #tpu.memory_space<vmem>>[vector<16xi32>, vector<16xi32>, vector<16xi32>], vector<16xf32>,
        %gather3A_563 = tpu.vector_load_idx %arg8[%add3A_288, %add3A_537] : memref<256x64xf32, #tpu.memory_space<vmem>>[vector<16xi32>, vector<16xi32>], vector<16xf32>,
        %add3A_564 = arith.addf %gather3A_563, %gather3A_540 : vector<16xf32>
        tpu.vector_store_idx %arg9[%add3A_545, %and3A_548, %add3A_312], %add3A_564 : memref<16x8x128xf32, #tpu.memory_space<vmem>>[vector<16xi32>, vector<16xi32>, vector<16xi32>], vector<16xf32>,
        %add3A_565 = arith.constant 48 : i32
        %add3A_566 = vector.broadcast %add3A_565 : i32 to vector<16xi32>
        %add3A_567 = arith.addi %and3A_474, %add3A_566 : vector<16xi32>
        %add3A_568 = vector.broadcast %multiple_of3A_240 : i32 to vector<16xi32>
        %add3A_569 = arith.addi %add3A_567, %add3A_568 : vector<16xi32>
        %gather3A_570 = tpu.vector_load_idx %arg7[%add3A_569] : memref<3200xf32, #tpu.memory_space<vmem>>[vector<16xi32>], vector<16xf32>,
        %shift_right_arithmetic3A_571 = arith.constant 3 : i32
        %shift_right_arithmetic3A_572 = vector.broadcast %shift_right_arithmetic3A_571 : i32 to vector<16xi32>
        %shift_right_arithmetic3A_573 = arith.shrsi %add3A_567, %shift_right_arithmetic3A_572 : vector<16xi32>
        %add3A_574 = vector.broadcast %mul3A_314 : i32 to vector<16xi32>
        %add3A_575 = arith.addi %shift_right_arithmetic3A_573, %add3A_574 : vector<16xi32>
        %and3A_576 = arith.constant 7 : i32
        %and3A_577 = vector.broadcast %and3A_576 : i32 to vector<16xi32>
        %and3A_578 = arith.andi %add3A_567, %and3A_577 : vector<16xi32>
        %gather3A_579 = tpu.vector_load_idx %arg8[%add3A_246, %add3A_567] : memref<256x64xf32, #tpu.memory_space<vmem>>[vector<16xi32>, vector<16xi32>], vector<16xf32>,
        %add3A_580 = arith.addf %gather3A_579, %gather3A_570 : vector<16xf32>
        tpu.vector_store_idx %arg9[%add3A_575, %and3A_578, %add3A_291], %add3A_580 : memref<16x8x128xf32, #tpu.memory_space<vmem>>[vector<16xi32>, vector<16xi32>, vector<16xi32>], vector<16xf32>,
        %gather3A_581 = tpu.vector_load_idx %arg8[%add3A_252, %add3A_567] : memref<256x64xf32, #tpu.memory_space<vmem>>[vector<16xi32>, vector<16xi32>], vector<16xf32>,
        %add3A_582 = arith.addf %gather3A_581, %gather3A_570 : vector<16xf32>
        tpu.vector_store_idx %arg9[%add3A_575, %and3A_578, %add3A_294], %add3A_582 : memref<16x8x128xf32, #tpu.memory_space<vmem>>[vector<16xi32>, vector<16xi32>, vector<16xi32>], vector<16xf32>,
        %gather3A_583 = tpu.vector_load_idx %arg8[%add3A_258, %add3A_567] : memref<256x64xf32, #tpu.memory_space<vmem>>[vector<16xi32>, vector<16xi32>], vector<16xf32>,
        %add3A_584 = arith.addf %gather3A_583, %gather3A_570 : vector<16xf32>
        tpu.vector_store_idx %arg9[%add3A_575, %and3A_578, %add3A_297], %add3A_584 : memref<16x8x128xf32, #tpu.memory_space<vmem>>[vector<16xi32>, vector<16xi32>, vector<16xi32>], vector<16xf32>,
        %gather3A_585 = tpu.vector_load_idx %arg8[%add3A_264, %add3A_567] : memref<256x64xf32, #tpu.memory_space<vmem>>[vector<16xi32>, vector<16xi32>], vector<16xf32>,
        %add3A_586 = arith.addf %gather3A_585, %gather3A_570 : vector<16xf32>
        tpu.vector_store_idx %arg9[%add3A_575, %and3A_578, %add3A_300], %add3A_586 : memref<16x8x128xf32, #tpu.memory_space<vmem>>[vector<16xi32>, vector<16xi32>, vector<16xi32>], vector<16xf32>,
        %gather3A_587 = tpu.vector_load_idx %arg8[%add3A_270, %add3A_567] : memref<256x64xf32, #tpu.memory_space<vmem>>[vector<16xi32>, vector<16xi32>], vector<16xf32>,
        %add3A_588 = arith.addf %gather3A_587, %gather3A_570 : vector<16xf32>
        tpu.vector_store_idx %arg9[%add3A_575, %and3A_578, %add3A_303], %add3A_588 : memref<16x8x128xf32, #tpu.memory_space<vmem>>[vector<16xi32>, vector<16xi32>, vector<16xi32>], vector<16xf32>,
        %gather3A_589 = tpu.vector_load_idx %arg8[%add3A_276, %add3A_567] : memref<256x64xf32, #tpu.memory_space<vmem>>[vector<16xi32>, vector<16xi32>], vector<16xf32>,
        %add3A_590 = arith.addf %gather3A_589, %gather3A_570 : vector<16xf32>
        tpu.vector_store_idx %arg9[%add3A_575, %and3A_578, %add3A_306], %add3A_590 : memref<16x8x128xf32, #tpu.memory_space<vmem>>[vector<16xi32>, vector<16xi32>, vector<16xi32>], vector<16xf32>,
        %gather3A_591 = tpu.vector_load_idx %arg8[%add3A_282, %add3A_567] : memref<256x64xf32, #tpu.memory_space<vmem>>[vector<16xi32>, vector<16xi32>], vector<16xf32>,
        %add3A_592 = arith.addf %gather3A_591, %gather3A_570 : vector<16xf32>
        tpu.vector_store_idx %arg9[%add3A_575, %and3A_578, %add3A_309], %add3A_592 : memref<16x8x128xf32, #tpu.memory_space<vmem>>[vector<16xi32>, vector<16xi32>, vector<16xi32>], vector<16xf32>,
        %gather3A_593 = tpu.vector_load_idx %arg8[%add3A_288, %add3A_567] : memref<256x64xf32, #tpu.memory_space<vmem>>[vector<16xi32>, vector<16xi32>], vector<16xf32>,
        %add3A_594 = arith.addf %gather3A_593, %gather3A_570 : vector<16xf32>
        tpu.vector_store_idx %arg9[%add3A_575, %and3A_578, %add3A_312], %add3A_594 : memref<16x8x128xf32, #tpu.memory_space<vmem>>[vector<16xi32>, vector<16xi32>, vector<16xi32>], vector<16xf32>,
        %mul3A_595 = arith.constant 4 : i32
        %mul3A_596 = arith.muli %scan3A_338, %mul3A_595 : i32
        %add3A_597 = arith.constant 2 : i32
        %add3A_598 = arith.addi %mul3A_596, %add3A_597 : i32
        %add3A_599 = vector.broadcast %add3A_598 : i32 to vector<16xi32>
        %add3A_600 = arith.addi %iota3A, %add3A_599 : vector<16xi32>
        %and3A_601 = arith.constant 15 : i32
        %and3A_602 = vector.broadcast %and3A_601 : i32 to vector<16xi32>
        %and3A_603 = arith.andi %add3A_600, %and3A_602 : vector<16xi32>
        %add3A_604 = arith.constant 0 : i32
        %add3A_605 = vector.broadcast %add3A_604 : i32 to vector<16xi32>
        %add3A_606 = arith.addi %and3A_603, %add3A_605 : vector<16xi32>
        %add3A_607 = vector.broadcast %multiple_of3A_240 : i32 to vector<16xi32>
        %add3A_608 = arith.addi %add3A_606, %add3A_607 : vector<16xi32>
        %gather3A_609 = tpu.vector_load_idx %arg7[%add3A_608] : memref<3200xf32, #tpu.memory_space<vmem>>[vector<16xi32>], vector<16xf32>,
        %shift_right_arithmetic3A_610 = arith.constant 3 : i32
        %shift_right_arithmetic3A_611 = vector.broadcast %shift_right_arithmetic3A_610 : i32 to vector<16xi32>
        %shift_right_arithmetic3A_612 = arith.shrsi %add3A_606, %shift_right_arithmetic3A_611 : vector<16xi32>
        %add3A_613 = vector.broadcast %mul3A_314 : i32 to vector<16xi32>
        %add3A_614 = arith.addi %shift_right_arithmetic3A_612, %add3A_613 : vector<16xi32>
        %and3A_615 = arith.constant 7 : i32
        %and3A_616 = vector.broadcast %and3A_615 : i32 to vector<16xi32>
        %and3A_617 = arith.andi %add3A_606, %and3A_616 : vector<16xi32>
        %gather3A_618 = tpu.vector_load_idx %arg8[%add3A_246, %add3A_606] : memref<256x64xf32, #tpu.memory_space<vmem>>[vector<16xi32>, vector<16xi32>], vector<16xf32>,
        %add3A_619 = arith.addf %gather3A_618, %gather3A_609 : vector<16xf32>
        tpu.vector_store_idx %arg9[%add3A_614, %and3A_617, %add3A_291], %add3A_619 : memref<16x8x128xf32, #tpu.memory_space<vmem>>[vector<16xi32>, vector<16xi32>, vector<16xi32>], vector<16xf32>,
        %gather3A_620 = tpu.vector_load_idx %arg8[%add3A_252, %add3A_606] : memref<256x64xf32, #tpu.memory_space<vmem>>[vector<16xi32>, vector<16xi32>], vector<16xf32>,
        %add3A_621 = arith.addf %gather3A_620, %gather3A_609 : vector<16xf32>
        tpu.vector_store_idx %arg9[%add3A_614, %and3A_617, %add3A_294], %add3A_621 : memref<16x8x128xf32, #tpu.memory_space<vmem>>[vector<16xi32>, vector<16xi32>, vector<16xi32>], vector<16xf32>,
        %gather3A_622 = tpu.vector_load_idx %arg8[%add3A_258, %add3A_606] : memref<256x64xf32, #tpu.memory_space<vmem>>[vector<16xi32>, vector<16xi32>], vector<16xf32>,
        %add3A_623 = arith.addf %gather3A_622, %gather3A_609 : vector<16xf32>
        tpu.vector_store_idx %arg9[%add3A_614, %and3A_617, %add3A_297], %add3A_623 : memref<16x8x128xf32, #tpu.memory_space<vmem>>[vector<16xi32>, vector<16xi32>, vector<16xi32>], vector<16xf32>,
        %gather3A_624 = tpu.vector_load_idx %arg8[%add3A_264, %add3A_606] : memref<256x64xf32, #tpu.memory_space<vmem>>[vector<16xi32>, vector<16xi32>], vector<16xf32>,
        %add3A_625 = arith.addf %gather3A_624, %gather3A_609 : vector<16xf32>
        tpu.vector_store_idx %arg9[%add3A_614, %and3A_617, %add3A_300], %add3A_625 : memref<16x8x128xf32, #tpu.memory_space<vmem>>[vector<16xi32>, vector<16xi32>, vector<16xi32>], vector<16xf32>,
        %gather3A_626 = tpu.vector_load_idx %arg8[%add3A_270, %add3A_606] : memref<256x64xf32, #tpu.memory_space<vmem>>[vector<16xi32>, vector<16xi32>], vector<16xf32>,
        %add3A_627 = arith.addf %gather3A_626, %gather3A_609 : vector<16xf32>
        tpu.vector_store_idx %arg9[%add3A_614, %and3A_617, %add3A_303], %add3A_627 : memref<16x8x128xf32, #tpu.memory_space<vmem>>[vector<16xi32>, vector<16xi32>, vector<16xi32>], vector<16xf32>,
        %gather3A_628 = tpu.vector_load_idx %arg8[%add3A_276, %add3A_606] : memref<256x64xf32, #tpu.memory_space<vmem>>[vector<16xi32>, vector<16xi32>], vector<16xf32>,
        %add3A_629 = arith.addf %gather3A_628, %gather3A_609 : vector<16xf32>
        tpu.vector_store_idx %arg9[%add3A_614, %and3A_617, %add3A_306], %add3A_629 : memref<16x8x128xf32, #tpu.memory_space<vmem>>[vector<16xi32>, vector<16xi32>, vector<16xi32>], vector<16xf32>,
        %gather3A_630 = tpu.vector_load_idx %arg8[%add3A_282, %add3A_606] : memref<256x64xf32, #tpu.memory_space<vmem>>[vector<16xi32>, vector<16xi32>], vector<16xf32>,
        %add3A_631 = arith.addf %gather3A_630, %gather3A_609 : vector<16xf32>
        tpu.vector_store_idx %arg9[%add3A_614, %and3A_617, %add3A_309], %add3A_631 : memref<16x8x128xf32, #tpu.memory_space<vmem>>[vector<16xi32>, vector<16xi32>, vector<16xi32>], vector<16xf32>,
        %gather3A_632 = tpu.vector_load_idx %arg8[%add3A_288, %add3A_606] : memref<256x64xf32, #tpu.memory_space<vmem>>[vector<16xi32>, vector<16xi32>], vector<16xf32>,
        %add3A_633 = arith.addf %gather3A_632, %gather3A_609 : vector<16xf32>
        tpu.vector_store_idx %arg9[%add3A_614, %and3A_617, %add3A_312], %add3A_633 : memref<16x8x128xf32, #tpu.memory_space<vmem>>[vector<16xi32>, vector<16xi32>, vector<16xi32>], vector<16xf32>,
        %add3A_634 = arith.constant 16 : i32
        %add3A_635 = vector.broadcast %add3A_634 : i32 to vector<16xi32>
        %add3A_636 = arith.addi %and3A_603, %add3A_635 : vector<16xi32>
        %add3A_637 = vector.broadcast %multiple_of3A_240 : i32 to vector<16xi32>
        %add3A_638 = arith.addi %add3A_636, %add3A_637 : vector<16xi32>
        %gather3A_639 = tpu.vector_load_idx %arg7[%add3A_638] : memref<3200xf32, #tpu.memory_space<vmem>>[vector<16xi32>], vector<16xf32>,
        %shift_right_arithmetic3A_640 = arith.constant 3 : i32
        %shift_right_arithmetic3A_641 = vector.broadcast %shift_right_arithmetic3A_640 : i32 to vector<16xi32>
        %shift_right_arithmetic3A_642 = arith.shrsi %add3A_636, %shift_right_arithmetic3A_641 : vector<16xi32>
        %add3A_643 = vector.broadcast %mul3A_314 : i32 to vector<16xi32>
        %add3A_644 = arith.addi %shift_right_arithmetic3A_642, %add3A_643 : vector<16xi32>
        %and3A_645 = arith.constant 7 : i32
        %and3A_646 = vector.broadcast %and3A_645 : i32 to vector<16xi32>
        %and3A_647 = arith.andi %add3A_636, %and3A_646 : vector<16xi32>
        %gather3A_648 = tpu.vector_load_idx %arg8[%add3A_246, %add3A_636] : memref<256x64xf32, #tpu.memory_space<vmem>>[vector<16xi32>, vector<16xi32>], vector<16xf32>,
        %add3A_649 = arith.addf %gather3A_648, %gather3A_639 : vector<16xf32>
        tpu.vector_store_idx %arg9[%add3A_644, %and3A_647, %add3A_291], %add3A_649 : memref<16x8x128xf32, #tpu.memory_space<vmem>>[vector<16xi32>, vector<16xi32>, vector<16xi32>], vector<16xf32>,
        %gather3A_650 = tpu.vector_load_idx %arg8[%add3A_252, %add3A_636] : memref<256x64xf32, #tpu.memory_space<vmem>>[vector<16xi32>, vector<16xi32>], vector<16xf32>,
        %add3A_651 = arith.addf %gather3A_650, %gather3A_639 : vector<16xf32>
        tpu.vector_store_idx %arg9[%add3A_644, %and3A_647, %add3A_294], %add3A_651 : memref<16x8x128xf32, #tpu.memory_space<vmem>>[vector<16xi32>, vector<16xi32>, vector<16xi32>], vector<16xf32>,
        %gather3A_652 = tpu.vector_load_idx %arg8[%add3A_258, %add3A_636] : memref<256x64xf32, #tpu.memory_space<vmem>>[vector<16xi32>, vector<16xi32>], vector<16xf32>,
        %add3A_653 = arith.addf %gather3A_652, %gather3A_639 : vector<16xf32>
        tpu.vector_store_idx %arg9[%add3A_644, %and3A_647, %add3A_297], %add3A_653 : memref<16x8x128xf32, #tpu.memory_space<vmem>>[vector<16xi32>, vector<16xi32>, vector<16xi32>], vector<16xf32>,
        %gather3A_654 = tpu.vector_load_idx %arg8[%add3A_264, %add3A_636] : memref<256x64xf32, #tpu.memory_space<vmem>>[vector<16xi32>, vector<16xi32>], vector<16xf32>,
        %add3A_655 = arith.addf %gather3A_654, %gather3A_639 : vector<16xf32>
        tpu.vector_store_idx %arg9[%add3A_644, %and3A_647, %add3A_300], %add3A_655 : memref<16x8x128xf32, #tpu.memory_space<vmem>>[vector<16xi32>, vector<16xi32>, vector<16xi32>], vector<16xf32>,
        %gather3A_656 = tpu.vector_load_idx %arg8[%add3A_270, %add3A_636] : memref<256x64xf32, #tpu.memory_space<vmem>>[vector<16xi32>, vector<16xi32>], vector<16xf32>,
        %add3A_657 = arith.addf %gather3A_656, %gather3A_639 : vector<16xf32>
        tpu.vector_store_idx %arg9[%add3A_644, %and3A_647, %add3A_303], %add3A_657 : memref<16x8x128xf32, #tpu.memory_space<vmem>>[vector<16xi32>, vector<16xi32>, vector<16xi32>], vector<16xf32>,
        %gather3A_658 = tpu.vector_load_idx %arg8[%add3A_276, %add3A_636] : memref<256x64xf32, #tpu.memory_space<vmem>>[vector<16xi32>, vector<16xi32>], vector<16xf32>,
        %add3A_659 = arith.addf %gather3A_658, %gather3A_639 : vector<16xf32>
        tpu.vector_store_idx %arg9[%add3A_644, %and3A_647, %add3A_306], %add3A_659 : memref<16x8x128xf32, #tpu.memory_space<vmem>>[vector<16xi32>, vector<16xi32>, vector<16xi32>], vector<16xf32>,
        %gather3A_660 = tpu.vector_load_idx %arg8[%add3A_282, %add3A_636] : memref<256x64xf32, #tpu.memory_space<vmem>>[vector<16xi32>, vector<16xi32>], vector<16xf32>,
        %add3A_661 = arith.addf %gather3A_660, %gather3A_639 : vector<16xf32>
        tpu.vector_store_idx %arg9[%add3A_644, %and3A_647, %add3A_309], %add3A_661 : memref<16x8x128xf32, #tpu.memory_space<vmem>>[vector<16xi32>, vector<16xi32>, vector<16xi32>], vector<16xf32>,
        %gather3A_662 = tpu.vector_load_idx %arg8[%add3A_288, %add3A_636] : memref<256x64xf32, #tpu.memory_space<vmem>>[vector<16xi32>, vector<16xi32>], vector<16xf32>,
        %add3A_663 = arith.addf %gather3A_662, %gather3A_639 : vector<16xf32>
        tpu.vector_store_idx %arg9[%add3A_644, %and3A_647, %add3A_312], %add3A_663 : memref<16x8x128xf32, #tpu.memory_space<vmem>>[vector<16xi32>, vector<16xi32>, vector<16xi32>], vector<16xf32>,
        %add3A_664 = arith.constant 32 : i32
        %add3A_665 = vector.broadcast %add3A_664 : i32 to vector<16xi32>
        %add3A_666 = arith.addi %and3A_603, %add3A_665 : vector<16xi32>
        %add3A_667 = vector.broadcast %multiple_of3A_240 : i32 to vector<16xi32>
        %add3A_668 = arith.addi %add3A_666, %add3A_667 : vector<16xi32>
        %gather3A_669 = tpu.vector_load_idx %arg7[%add3A_668] : memref<3200xf32, #tpu.memory_space<vmem>>[vector<16xi32>], vector<16xf32>,
        %shift_right_arithmetic3A_670 = arith.constant 3 : i32
        %shift_right_arithmetic3A_671 = vector.broadcast %shift_right_arithmetic3A_670 : i32 to vector<16xi32>
        %shift_right_arithmetic3A_672 = arith.shrsi %add3A_666, %shift_right_arithmetic3A_671 : vector<16xi32>
        %add3A_673 = vector.broadcast %mul3A_314 : i32 to vector<16xi32>
        %add3A_674 = arith.addi %shift_right_arithmetic3A_672, %add3A_673 : vector<16xi32>
        %and3A_675 = arith.constant 7 : i32
        %and3A_676 = vector.broadcast %and3A_675 : i32 to vector<16xi32>
        %and3A_677 = arith.andi %add3A_666, %and3A_676 : vector<16xi32>
        %gather3A_678 = tpu.vector_load_idx %arg8[%add3A_246, %add3A_666] : memref<256x64xf32, #tpu.memory_space<vmem>>[vector<16xi32>, vector<16xi32>], vector<16xf32>,
        %add3A_679 = arith.addf %gather3A_678, %gather3A_669 : vector<16xf32>
        tpu.vector_store_idx %arg9[%add3A_674, %and3A_677, %add3A_291], %add3A_679 : memref<16x8x128xf32, #tpu.memory_space<vmem>>[vector<16xi32>, vector<16xi32>, vector<16xi32>], vector<16xf32>,
        %gather3A_680 = tpu.vector_load_idx %arg8[%add3A_252, %add3A_666] : memref<256x64xf32, #tpu.memory_space<vmem>>[vector<16xi32>, vector<16xi32>], vector<16xf32>,
        %add3A_681 = arith.addf %gather3A_680, %gather3A_669 : vector<16xf32>
        tpu.vector_store_idx %arg9[%add3A_674, %and3A_677, %add3A_294], %add3A_681 : memref<16x8x128xf32, #tpu.memory_space<vmem>>[vector<16xi32>, vector<16xi32>, vector<16xi32>], vector<16xf32>,
        %gather3A_682 = tpu.vector_load_idx %arg8[%add3A_258, %add3A_666] : memref<256x64xf32, #tpu.memory_space<vmem>>[vector<16xi32>, vector<16xi32>], vector<16xf32>,
        %add3A_683 = arith.addf %gather3A_682, %gather3A_669 : vector<16xf32>
        tpu.vector_store_idx %arg9[%add3A_674, %and3A_677, %add3A_297], %add3A_683 : memref<16x8x128xf32, #tpu.memory_space<vmem>>[vector<16xi32>, vector<16xi32>, vector<16xi32>], vector<16xf32>,
        %gather3A_684 = tpu.vector_load_idx %arg8[%add3A_264, %add3A_666] : memref<256x64xf32, #tpu.memory_space<vmem>>[vector<16xi32>, vector<16xi32>], vector<16xf32>,
        %add3A_685 = arith.addf %gather3A_684, %gather3A_669 : vector<16xf32>
        tpu.vector_store_idx %arg9[%add3A_674, %and3A_677, %add3A_300], %add3A_685 : memref<16x8x128xf32, #tpu.memory_space<vmem>>[vector<16xi32>, vector<16xi32>, vector<16xi32>], vector<16xf32>,
        %gather3A_686 = tpu.vector_load_idx %arg8[%add3A_270, %add3A_666] : memref<256x64xf32, #tpu.memory_space<vmem>>[vector<16xi32>, vector<16xi32>], vector<16xf32>,
        %add3A_687 = arith.addf %gather3A_686, %gather3A_669 : vector<16xf32>
        tpu.vector_store_idx %arg9[%add3A_674, %and3A_677, %add3A_303], %add3A_687 : memref<16x8x128xf32, #tpu.memory_space<vmem>>[vector<16xi32>, vector<16xi32>, vector<16xi32>], vector<16xf32>,
        %gather3A_688 = tpu.vector_load_idx %arg8[%add3A_276, %add3A_666] : memref<256x64xf32, #tpu.memory_space<vmem>>[vector<16xi32>, vector<16xi32>], vector<16xf32>,
        %add3A_689 = arith.addf %gather3A_688, %gather3A_669 : vector<16xf32>
        tpu.vector_store_idx %arg9[%add3A_674, %and3A_677, %add3A_306], %add3A_689 : memref<16x8x128xf32, #tpu.memory_space<vmem>>[vector<16xi32>, vector<16xi32>, vector<16xi32>], vector<16xf32>,
        %gather3A_690 = tpu.vector_load_idx %arg8[%add3A_282, %add3A_666] : memref<256x64xf32, #tpu.memory_space<vmem>>[vector<16xi32>, vector<16xi32>], vector<16xf32>,
        %add3A_691 = arith.addf %gather3A_690, %gather3A_669 : vector<16xf32>
        tpu.vector_store_idx %arg9[%add3A_674, %and3A_677, %add3A_309], %add3A_691 : memref<16x8x128xf32, #tpu.memory_space<vmem>>[vector<16xi32>, vector<16xi32>, vector<16xi32>], vector<16xf32>,
        %gather3A_692 = tpu.vector_load_idx %arg8[%add3A_288, %add3A_666] : memref<256x64xf32, #tpu.memory_space<vmem>>[vector<16xi32>, vector<16xi32>], vector<16xf32>,
        %add3A_693 = arith.addf %gather3A_692, %gather3A_669 : vector<16xf32>
        tpu.vector_store_idx %arg9[%add3A_674, %and3A_677, %add3A_312], %add3A_693 : memref<16x8x128xf32, #tpu.memory_space<vmem>>[vector<16xi32>, vector<16xi32>, vector<16xi32>], vector<16xf32>,
        %add3A_694 = arith.constant 48 : i32
        %add3A_695 = vector.broadcast %add3A_694 : i32 to vector<16xi32>
        %add3A_696 = arith.addi %and3A_603, %add3A_695 : vector<16xi32>
        %add3A_697 = vector.broadcast %multiple_of3A_240 : i32 to vector<16xi32>
        %add3A_698 = arith.addi %add3A_696, %add3A_697 : vector<16xi32>
        %gather3A_699 = tpu.vector_load_idx %arg7[%add3A_698] : memref<3200xf32, #tpu.memory_space<vmem>>[vector<16xi32>], vector<16xf32>,
        %shift_right_arithmetic3A_700 = arith.constant 3 : i32
        %shift_right_arithmetic3A_701 = vector.broadcast %shift_right_arithmetic3A_700 : i32 to vector<16xi32>
        %shift_right_arithmetic3A_702 = arith.shrsi %add3A_696, %shift_right_arithmetic3A_701 : vector<16xi32>
        %add3A_703 = vector.broadcast %mul3A_314 : i32 to vector<16xi32>
        %add3A_704 = arith.addi %shift_right_arithmetic3A_702, %add3A_703 : vector<16xi32>
        %and3A_705 = arith.constant 7 : i32
        %and3A_706 = vector.broadcast %and3A_705 : i32 to vector<16xi32>
        %and3A_707 = arith.andi %add3A_696, %and3A_706 : vector<16xi32>
        %gather3A_708 = tpu.vector_load_idx %arg8[%add3A_246, %add3A_696] : memref<256x64xf32, #tpu.memory_space<vmem>>[vector<16xi32>, vector<16xi32>], vector<16xf32>,
        %add3A_709 = arith.addf %gather3A_708, %gather3A_699 : vector<16xf32>
        tpu.vector_store_idx %arg9[%add3A_704, %and3A_707, %add3A_291], %add3A_709 : memref<16x8x128xf32, #tpu.memory_space<vmem>>[vector<16xi32>, vector<16xi32>, vector<16xi32>], vector<16xf32>,
        %gather3A_710 = tpu.vector_load_idx %arg8[%add3A_252, %add3A_696] : memref<256x64xf32, #tpu.memory_space<vmem>>[vector<16xi32>, vector<16xi32>], vector<16xf32>,
        %add3A_711 = arith.addf %gather3A_710, %gather3A_699 : vector<16xf32>
        tpu.vector_store_idx %arg9[%add3A_704, %and3A_707, %add3A_294], %add3A_711 : memref<16x8x128xf32, #tpu.memory_space<vmem>>[vector<16xi32>, vector<16xi32>, vector<16xi32>], vector<16xf32>,
        %gather3A_712 = tpu.vector_load_idx %arg8[%add3A_258, %add3A_696] : memref<256x64xf32, #tpu.memory_space<vmem>>[vector<16xi32>, vector<16xi32>], vector<16xf32>,
        %add3A_713 = arith.addf %gather3A_712, %gather3A_699 : vector<16xf32>
        tpu.vector_store_idx %arg9[%add3A_704, %and3A_707, %add3A_297], %add3A_713 : memref<16x8x128xf32, #tpu.memory_space<vmem>>[vector<16xi32>, vector<16xi32>, vector<16xi32>], vector<16xf32>,
        %gather3A_714 = tpu.vector_load_idx %arg8[%add3A_264, %add3A_696] : memref<256x64xf32, #tpu.memory_space<vmem>>[vector<16xi32>, vector<16xi32>], vector<16xf32>,
        %add3A_715 = arith.addf %gather3A_714, %gather3A_699 : vector<16xf32>
        tpu.vector_store_idx %arg9[%add3A_704, %and3A_707, %add3A_300], %add3A_715 : memref<16x8x128xf32, #tpu.memory_space<vmem>>[vector<16xi32>, vector<16xi32>, vector<16xi32>], vector<16xf32>,
        %gather3A_716 = tpu.vector_load_idx %arg8[%add3A_270, %add3A_696] : memref<256x64xf32, #tpu.memory_space<vmem>>[vector<16xi32>, vector<16xi32>], vector<16xf32>,
        %add3A_717 = arith.addf %gather3A_716, %gather3A_699 : vector<16xf32>
        tpu.vector_store_idx %arg9[%add3A_704, %and3A_707, %add3A_303], %add3A_717 : memref<16x8x128xf32, #tpu.memory_space<vmem>>[vector<16xi32>, vector<16xi32>, vector<16xi32>], vector<16xf32>,
        %gather3A_718 = tpu.vector_load_idx %arg8[%add3A_276, %add3A_696] : memref<256x64xf32, #tpu.memory_space<vmem>>[vector<16xi32>, vector<16xi32>], vector<16xf32>,
        %add3A_719 = arith.addf %gather3A_718, %gather3A_699 : vector<16xf32>
        tpu.vector_store_idx %arg9[%add3A_704, %and3A_707, %add3A_306], %add3A_719 : memref<16x8x128xf32, #tpu.memory_space<vmem>>[vector<16xi32>, vector<16xi32>, vector<16xi32>], vector<16xf32>,
        %gather3A_720 = tpu.vector_load_idx %arg8[%add3A_282, %add3A_696] : memref<256x64xf32, #tpu.memory_space<vmem>>[vector<16xi32>, vector<16xi32>], vector<16xf32>,
        %add3A_721 = arith.addf %gather3A_720, %gather3A_699 : vector<16xf32>
        tpu.vector_store_idx %arg9[%add3A_704, %and3A_707, %add3A_309], %add3A_721 : memref<16x8x128xf32, #tpu.memory_space<vmem>>[vector<16xi32>, vector<16xi32>, vector<16xi32>], vector<16xf32>,
        %gather3A_722 = tpu.vector_load_idx %arg8[%add3A_288, %add3A_696] : memref<256x64xf32, #tpu.memory_space<vmem>>[vector<16xi32>, vector<16xi32>], vector<16xf32>,
        %add3A_723 = arith.addf %gather3A_722, %gather3A_699 : vector<16xf32>
        tpu.vector_store_idx %arg9[%add3A_704, %and3A_707, %add3A_312], %add3A_723 : memref<16x8x128xf32, #tpu.memory_space<vmem>>[vector<16xi32>, vector<16xi32>, vector<16xi32>], vector<16xf32>,
        %mul3A_724 = arith.constant 4 : i32
        %mul3A_725 = arith.muli %scan3A_338, %mul3A_724 : i32
        %add3A_726 = arith.constant 3 : i32
        %add3A_727 = arith.addi %mul3A_725, %add3A_726 : i32
        %add3A_728 = vector.broadcast %add3A_727 : i32 to vector<16xi32>
        %add3A_729 = arith.addi %iota3A, %add3A_728 : vector<16xi32>
        %and3A_730 = arith.constant 15 : i32
        %and3A_731 = vector.broadcast %and3A_730 : i32 to vector<16xi32>
        %and3A_732 = arith.andi %add3A_729, %and3A_731 : vector<16xi32>
        %add3A_733 = arith.constant 0 : i32
        %add3A_734 = vector.broadcast %add3A_733 : i32 to vector<16xi32>
        %add3A_735 = arith.addi %and3A_732, %add3A_734 : vector<16xi32>
        %add3A_736 = vector.broadcast %multiple_of3A_240 : i32 to vector<16xi32>
        %add3A_737 = arith.addi %add3A_735, %add3A_736 : vector<16xi32>
        %gather3A_738 = tpu.vector_load_idx %arg7[%add3A_737] : memref<3200xf32, #tpu.memory_space<vmem>>[vector<16xi32>], vector<16xf32>,
        %shift_right_arithmetic3A_739 = arith.constant 3 : i32
        %shift_right_arithmetic3A_740 = vector.broadcast %shift_right_arithmetic3A_739 : i32 to vector<16xi32>
        %shift_right_arithmetic3A_741 = arith.shrsi %add3A_735, %shift_right_arithmetic3A_740 : vector<16xi32>
        %add3A_742 = vector.broadcast %mul3A_314 : i32 to vector<16xi32>
        %add3A_743 = arith.addi %shift_right_arithmetic3A_741, %add3A_742 : vector<16xi32>
        %and3A_744 = arith.constant 7 : i32
        %and3A_745 = vector.broadcast %and3A_744 : i32 to vector<16xi32>
        %and3A_746 = arith.andi %add3A_735, %and3A_745 : vector<16xi32>
        %gather3A_747 = tpu.vector_load_idx %arg8[%add3A_246, %add3A_735] : memref<256x64xf32, #tpu.memory_space<vmem>>[vector<16xi32>, vector<16xi32>], vector<16xf32>,
        %add3A_748 = arith.addf %gather3A_747, %gather3A_738 : vector<16xf32>
        tpu.vector_store_idx %arg9[%add3A_743, %and3A_746, %add3A_291], %add3A_748 : memref<16x8x128xf32, #tpu.memory_space<vmem>>[vector<16xi32>, vector<16xi32>, vector<16xi32>], vector<16xf32>,
        %gather3A_749 = tpu.vector_load_idx %arg8[%add3A_252, %add3A_735] : memref<256x64xf32, #tpu.memory_space<vmem>>[vector<16xi32>, vector<16xi32>], vector<16xf32>,
        %add3A_750 = arith.addf %gather3A_749, %gather3A_738 : vector<16xf32>
        tpu.vector_store_idx %arg9[%add3A_743, %and3A_746, %add3A_294], %add3A_750 : memref<16x8x128xf32, #tpu.memory_space<vmem>>[vector<16xi32>, vector<16xi32>, vector<16xi32>], vector<16xf32>,
        %gather3A_751 = tpu.vector_load_idx %arg8[%add3A_258, %add3A_735] : memref<256x64xf32, #tpu.memory_space<vmem>>[vector<16xi32>, vector<16xi32>], vector<16xf32>,
        %add3A_752 = arith.addf %gather3A_751, %gather3A_738 : vector<16xf32>
        tpu.vector_store_idx %arg9[%add3A_743, %and3A_746, %add3A_297], %add3A_752 : memref<16x8x128xf32, #tpu.memory_space<vmem>>[vector<16xi32>, vector<16xi32>, vector<16xi32>], vector<16xf32>,
        %gather3A_753 = tpu.vector_load_idx %arg8[%add3A_264, %add3A_735] : memref<256x64xf32, #tpu.memory_space<vmem>>[vector<16xi32>, vector<16xi32>], vector<16xf32>,
        %add3A_754 = arith.addf %gather3A_753, %gather3A_738 : vector<16xf32>
        tpu.vector_store_idx %arg9[%add3A_743, %and3A_746, %add3A_300], %add3A_754 : memref<16x8x128xf32, #tpu.memory_space<vmem>>[vector<16xi32>, vector<16xi32>, vector<16xi32>], vector<16xf32>,
        %gather3A_755 = tpu.vector_load_idx %arg8[%add3A_270, %add3A_735] : memref<256x64xf32, #tpu.memory_space<vmem>>[vector<16xi32>, vector<16xi32>], vector<16xf32>,
        %add3A_756 = arith.addf %gather3A_755, %gather3A_738 : vector<16xf32>
        tpu.vector_store_idx %arg9[%add3A_743, %and3A_746, %add3A_303], %add3A_756 : memref<16x8x128xf32, #tpu.memory_space<vmem>>[vector<16xi32>, vector<16xi32>, vector<16xi32>], vector<16xf32>,
        %gather3A_757 = tpu.vector_load_idx %arg8[%add3A_276, %add3A_735] : memref<256x64xf32, #tpu.memory_space<vmem>>[vector<16xi32>, vector<16xi32>], vector<16xf32>,
        %add3A_758 = arith.addf %gather3A_757, %gather3A_738 : vector<16xf32>
        tpu.vector_store_idx %arg9[%add3A_743, %and3A_746, %add3A_306], %add3A_758 : memref<16x8x128xf32, #tpu.memory_space<vmem>>[vector<16xi32>, vector<16xi32>, vector<16xi32>], vector<16xf32>,
        %gather3A_759 = tpu.vector_load_idx %arg8[%add3A_282, %add3A_735] : memref<256x64xf32, #tpu.memory_space<vmem>>[vector<16xi32>, vector<16xi32>], vector<16xf32>,
        %add3A_760 = arith.addf %gather3A_759, %gather3A_738 : vector<16xf32>
        tpu.vector_store_idx %arg9[%add3A_743, %and3A_746, %add3A_309], %add3A_760 : memref<16x8x128xf32, #tpu.memory_space<vmem>>[vector<16xi32>, vector<16xi32>, vector<16xi32>], vector<16xf32>,
        %gather3A_761 = tpu.vector_load_idx %arg8[%add3A_288, %add3A_735] : memref<256x64xf32, #tpu.memory_space<vmem>>[vector<16xi32>, vector<16xi32>], vector<16xf32>,
        %add3A_762 = arith.addf %gather3A_761, %gather3A_738 : vector<16xf32>
        tpu.vector_store_idx %arg9[%add3A_743, %and3A_746, %add3A_312], %add3A_762 : memref<16x8x128xf32, #tpu.memory_space<vmem>>[vector<16xi32>, vector<16xi32>, vector<16xi32>], vector<16xf32>,
        %add3A_763 = arith.constant 16 : i32
        %add3A_764 = vector.broadcast %add3A_763 : i32 to vector<16xi32>
        %add3A_765 = arith.addi %and3A_732, %add3A_764 : vector<16xi32>
        %add3A_766 = vector.broadcast %multiple_of3A_240 : i32 to vector<16xi32>
        %add3A_767 = arith.addi %add3A_765, %add3A_766 : vector<16xi32>
        %gather3A_768 = tpu.vector_load_idx %arg7[%add3A_767] : memref<3200xf32, #tpu.memory_space<vmem>>[vector<16xi32>], vector<16xf32>,
        %shift_right_arithmetic3A_769 = arith.constant 3 : i32
        %shift_right_arithmetic3A_770 = vector.broadcast %shift_right_arithmetic3A_769 : i32 to vector<16xi32>
        %shift_right_arithmetic3A_771 = arith.shrsi %add3A_765, %shift_right_arithmetic3A_770 : vector<16xi32>
        %add3A_772 = vector.broadcast %mul3A_314 : i32 to vector<16xi32>
        %add3A_773 = arith.addi %shift_right_arithmetic3A_771, %add3A_772 : vector<16xi32>
        %and3A_774 = arith.constant 7 : i32
        %and3A_775 = vector.broadcast %and3A_774 : i32 to vector<16xi32>
        %and3A_776 = arith.andi %add3A_765, %and3A_775 : vector<16xi32>
        %gather3A_777 = tpu.vector_load_idx %arg8[%add3A_246, %add3A_765] : memref<256x64xf32, #tpu.memory_space<vmem>>[vector<16xi32>, vector<16xi32>], vector<16xf32>,
        %add3A_778 = arith.addf %gather3A_777, %gather3A_768 : vector<16xf32>
        tpu.vector_store_idx %arg9[%add3A_773, %and3A_776, %add3A_291], %add3A_778 : memref<16x8x128xf32, #tpu.memory_space<vmem>>[vector<16xi32>, vector<16xi32>, vector<16xi32>], vector<16xf32>,
        %gather3A_779 = tpu.vector_load_idx %arg8[%add3A_252, %add3A_765] : memref<256x64xf32, #tpu.memory_space<vmem>>[vector<16xi32>, vector<16xi32>], vector<16xf32>,
        %add3A_780 = arith.addf %gather3A_779, %gather3A_768 : vector<16xf32>
        tpu.vector_store_idx %arg9[%add3A_773, %and3A_776, %add3A_294], %add3A_780 : memref<16x8x128xf32, #tpu.memory_space<vmem>>[vector<16xi32>, vector<16xi32>, vector<16xi32>], vector<16xf32>,
        %gather3A_781 = tpu.vector_load_idx %arg8[%add3A_258, %add3A_765] : memref<256x64xf32, #tpu.memory_space<vmem>>[vector<16xi32>, vector<16xi32>], vector<16xf32>,
        %add3A_782 = arith.addf %gather3A_781, %gather3A_768 : vector<16xf32>
        tpu.vector_store_idx %arg9[%add3A_773, %and3A_776, %add3A_297], %add3A_782 : memref<16x8x128xf32, #tpu.memory_space<vmem>>[vector<16xi32>, vector<16xi32>, vector<16xi32>], vector<16xf32>,
        %gather3A_783 = tpu.vector_load_idx %arg8[%add3A_264, %add3A_765] : memref<256x64xf32, #tpu.memory_space<vmem>>[vector<16xi32>, vector<16xi32>], vector<16xf32>,
        %add3A_784 = arith.addf %gather3A_783, %gather3A_768 : vector<16xf32>
        tpu.vector_store_idx %arg9[%add3A_773, %and3A_776, %add3A_300], %add3A_784 : memref<16x8x128xf32, #tpu.memory_space<vmem>>[vector<16xi32>, vector<16xi32>, vector<16xi32>], vector<16xf32>,
        %gather3A_785 = tpu.vector_load_idx %arg8[%add3A_270, %add3A_765] : memref<256x64xf32, #tpu.memory_space<vmem>>[vector<16xi32>, vector<16xi32>], vector<16xf32>,
        %add3A_786 = arith.addf %gather3A_785, %gather3A_768 : vector<16xf32>
        tpu.vector_store_idx %arg9[%add3A_773, %and3A_776, %add3A_303], %add3A_786 : memref<16x8x128xf32, #tpu.memory_space<vmem>>[vector<16xi32>, vector<16xi32>, vector<16xi32>], vector<16xf32>,
        %gather3A_787 = tpu.vector_load_idx %arg8[%add3A_276, %add3A_765] : memref<256x64xf32, #tpu.memory_space<vmem>>[vector<16xi32>, vector<16xi32>], vector<16xf32>,
        %add3A_788 = arith.addf %gather3A_787, %gather3A_768 : vector<16xf32>
        tpu.vector_store_idx %arg9[%add3A_773, %and3A_776, %add3A_306], %add3A_788 : memref<16x8x128xf32, #tpu.memory_space<vmem>>[vector<16xi32>, vector<16xi32>, vector<16xi32>], vector<16xf32>,
        %gather3A_789 = tpu.vector_load_idx %arg8[%add3A_282, %add3A_765] : memref<256x64xf32, #tpu.memory_space<vmem>>[vector<16xi32>, vector<16xi32>], vector<16xf32>,
        %add3A_790 = arith.addf %gather3A_789, %gather3A_768 : vector<16xf32>
        tpu.vector_store_idx %arg9[%add3A_773, %and3A_776, %add3A_309], %add3A_790 : memref<16x8x128xf32, #tpu.memory_space<vmem>>[vector<16xi32>, vector<16xi32>, vector<16xi32>], vector<16xf32>,
        %gather3A_791 = tpu.vector_load_idx %arg8[%add3A_288, %add3A_765] : memref<256x64xf32, #tpu.memory_space<vmem>>[vector<16xi32>, vector<16xi32>], vector<16xf32>,
        %add3A_792 = arith.addf %gather3A_791, %gather3A_768 : vector<16xf32>
        tpu.vector_store_idx %arg9[%add3A_773, %and3A_776, %add3A_312], %add3A_792 : memref<16x8x128xf32, #tpu.memory_space<vmem>>[vector<16xi32>, vector<16xi32>, vector<16xi32>], vector<16xf32>,
        %add3A_793 = arith.constant 32 : i32
        %add3A_794 = vector.broadcast %add3A_793 : i32 to vector<16xi32>
        %add3A_795 = arith.addi %and3A_732, %add3A_794 : vector<16xi32>
        %add3A_796 = vector.broadcast %multiple_of3A_240 : i32 to vector<16xi32>
        %add3A_797 = arith.addi %add3A_795, %add3A_796 : vector<16xi32>
        %gather3A_798 = tpu.vector_load_idx %arg7[%add3A_797] : memref<3200xf32, #tpu.memory_space<vmem>>[vector<16xi32>], vector<16xf32>,
        %shift_right_arithmetic3A_799 = arith.constant 3 : i32
        %shift_right_arithmetic3A_800 = vector.broadcast %shift_right_arithmetic3A_799 : i32 to vector<16xi32>
        %shift_right_arithmetic3A_801 = arith.shrsi %add3A_795, %shift_right_arithmetic3A_800 : vector<16xi32>
        %add3A_802 = vector.broadcast %mul3A_314 : i32 to vector<16xi32>
        %add3A_803 = arith.addi %shift_right_arithmetic3A_801, %add3A_802 : vector<16xi32>
        %and3A_804 = arith.constant 7 : i32
        %and3A_805 = vector.broadcast %and3A_804 : i32 to vector<16xi32>
        %and3A_806 = arith.andi %add3A_795, %and3A_805 : vector<16xi32>
        %gather3A_807 = tpu.vector_load_idx %arg8[%add3A_246, %add3A_795] : memref<256x64xf32, #tpu.memory_space<vmem>>[vector<16xi32>, vector<16xi32>], vector<16xf32>,
        %add3A_808 = arith.addf %gather3A_807, %gather3A_798 : vector<16xf32>
        tpu.vector_store_idx %arg9[%add3A_803, %and3A_806, %add3A_291], %add3A_808 : memref<16x8x128xf32, #tpu.memory_space<vmem>>[vector<16xi32>, vector<16xi32>, vector<16xi32>], vector<16xf32>,
        %gather3A_809 = tpu.vector_load_idx %arg8[%add3A_252, %add3A_795] : memref<256x64xf32, #tpu.memory_space<vmem>>[vector<16xi32>, vector<16xi32>], vector<16xf32>,
        %add3A_810 = arith.addf %gather3A_809, %gather3A_798 : vector<16xf32>
        tpu.vector_store_idx %arg9[%add3A_803, %and3A_806, %add3A_294], %add3A_810 : memref<16x8x128xf32, #tpu.memory_space<vmem>>[vector<16xi32>, vector<16xi32>, vector<16xi32>], vector<16xf32>,
        %gather3A_811 = tpu.vector_load_idx %arg8[%add3A_258, %add3A_795] : memref<256x64xf32, #tpu.memory_space<vmem>>[vector<16xi32>, vector<16xi32>], vector<16xf32>,
        %add3A_812 = arith.addf %gather3A_811, %gather3A_798 : vector<16xf32>
        tpu.vector_store_idx %arg9[%add3A_803, %and3A_806, %add3A_297], %add3A_812 : memref<16x8x128xf32, #tpu.memory_space<vmem>>[vector<16xi32>, vector<16xi32>, vector<16xi32>], vector<16xf32>,
        %gather3A_813 = tpu.vector_load_idx %arg8[%add3A_264, %add3A_795] : memref<256x64xf32, #tpu.memory_space<vmem>>[vector<16xi32>, vector<16xi32>], vector<16xf32>,
        %add3A_814 = arith.addf %gather3A_813, %gather3A_798 : vector<16xf32>
        tpu.vector_store_idx %arg9[%add3A_803, %and3A_806, %add3A_300], %add3A_814 : memref<16x8x128xf32, #tpu.memory_space<vmem>>[vector<16xi32>, vector<16xi32>, vector<16xi32>], vector<16xf32>,
        %gather3A_815 = tpu.vector_load_idx %arg8[%add3A_270, %add3A_795] : memref<256x64xf32, #tpu.memory_space<vmem>>[vector<16xi32>, vector<16xi32>], vector<16xf32>,
        %add3A_816 = arith.addf %gather3A_815, %gather3A_798 : vector<16xf32>
        tpu.vector_store_idx %arg9[%add3A_803, %and3A_806, %add3A_303], %add3A_816 : memref<16x8x128xf32, #tpu.memory_space<vmem>>[vector<16xi32>, vector<16xi32>, vector<16xi32>], vector<16xf32>,
        %gather3A_817 = tpu.vector_load_idx %arg8[%add3A_276, %add3A_795] : memref<256x64xf32, #tpu.memory_space<vmem>>[vector<16xi32>, vector<16xi32>], vector<16xf32>,
        %add3A_818 = arith.addf %gather3A_817, %gather3A_798 : vector<16xf32>
        tpu.vector_store_idx %arg9[%add3A_803, %and3A_806, %add3A_306], %add3A_818 : memref<16x8x128xf32, #tpu.memory_space<vmem>>[vector<16xi32>, vector<16xi32>, vector<16xi32>], vector<16xf32>,
        %gather3A_819 = tpu.vector_load_idx %arg8[%add3A_282, %add3A_795] : memref<256x64xf32, #tpu.memory_space<vmem>>[vector<16xi32>, vector<16xi32>], vector<16xf32>,
        %add3A_820 = arith.addf %gather3A_819, %gather3A_798 : vector<16xf32>
        tpu.vector_store_idx %arg9[%add3A_803, %and3A_806, %add3A_309], %add3A_820 : memref<16x8x128xf32, #tpu.memory_space<vmem>>[vector<16xi32>, vector<16xi32>, vector<16xi32>], vector<16xf32>,
        %gather3A_821 = tpu.vector_load_idx %arg8[%add3A_288, %add3A_795] : memref<256x64xf32, #tpu.memory_space<vmem>>[vector<16xi32>, vector<16xi32>], vector<16xf32>,
        %add3A_822 = arith.addf %gather3A_821, %gather3A_798 : vector<16xf32>
        tpu.vector_store_idx %arg9[%add3A_803, %and3A_806, %add3A_312], %add3A_822 : memref<16x8x128xf32, #tpu.memory_space<vmem>>[vector<16xi32>, vector<16xi32>, vector<16xi32>], vector<16xf32>,
        %add3A_823 = arith.constant 48 : i32
        %add3A_824 = vector.broadcast %add3A_823 : i32 to vector<16xi32>
        %add3A_825 = arith.addi %and3A_732, %add3A_824 : vector<16xi32>
        %add3A_826 = vector.broadcast %multiple_of3A_240 : i32 to vector<16xi32>
        %add3A_827 = arith.addi %add3A_825, %add3A_826 : vector<16xi32>
        %gather3A_828 = tpu.vector_load_idx %arg7[%add3A_827] : memref<3200xf32, #tpu.memory_space<vmem>>[vector<16xi32>], vector<16xf32>,
        %shift_right_arithmetic3A_829 = arith.constant 3 : i32
        %shift_right_arithmetic3A_830 = vector.broadcast %shift_right_arithmetic3A_829 : i32 to vector<16xi32>
        %shift_right_arithmetic3A_831 = arith.shrsi %add3A_825, %shift_right_arithmetic3A_830 : vector<16xi32>
        %add3A_832 = vector.broadcast %mul3A_314 : i32 to vector<16xi32>
        %add3A_833 = arith.addi %shift_right_arithmetic3A_831, %add3A_832 : vector<16xi32>
        %and3A_834 = arith.constant 7 : i32
        %and3A_835 = vector.broadcast %and3A_834 : i32 to vector<16xi32>
        %and3A_836 = arith.andi %add3A_825, %and3A_835 : vector<16xi32>
        %gather3A_837 = tpu.vector_load_idx %arg8[%add3A_246, %add3A_825] : memref<256x64xf32, #tpu.memory_space<vmem>>[vector<16xi32>, vector<16xi32>], vector<16xf32>,
        %add3A_838 = arith.addf %gather3A_837, %gather3A_828 : vector<16xf32>
        tpu.vector_store_idx %arg9[%add3A_833, %and3A_836, %add3A_291], %add3A_838 : memref<16x8x128xf32, #tpu.memory_space<vmem>>[vector<16xi32>, vector<16xi32>, vector<16xi32>], vector<16xf32>,
        %gather3A_839 = tpu.vector_load_idx %arg8[%add3A_252, %add3A_825] : memref<256x64xf32, #tpu.memory_space<vmem>>[vector<16xi32>, vector<16xi32>], vector<16xf32>,
        %add3A_840 = arith.addf %gather3A_839, %gather3A_828 : vector<16xf32>
        tpu.vector_store_idx %arg9[%add3A_833, %and3A_836, %add3A_294], %add3A_840 : memref<16x8x128xf32, #tpu.memory_space<vmem>>[vector<16xi32>, vector<16xi32>, vector<16xi32>], vector<16xf32>,
        %gather3A_841 = tpu.vector_load_idx %arg8[%add3A_258, %add3A_825] : memref<256x64xf32, #tpu.memory_space<vmem>>[vector<16xi32>, vector<16xi32>], vector<16xf32>,
        %add3A_842 = arith.addf %gather3A_841, %gather3A_828 : vector<16xf32>
        tpu.vector_store_idx %arg9[%add3A_833, %and3A_836, %add3A_297], %add3A_842 : memref<16x8x128xf32, #tpu.memory_space<vmem>>[vector<16xi32>, vector<16xi32>, vector<16xi32>], vector<16xf32>,
        %gather3A_843 = tpu.vector_load_idx %arg8[%add3A_264, %add3A_825] : memref<256x64xf32, #tpu.memory_space<vmem>>[vector<16xi32>, vector<16xi32>], vector<16xf32>,
        %add3A_844 = arith.addf %gather3A_843, %gather3A_828 : vector<16xf32>
        tpu.vector_store_idx %arg9[%add3A_833, %and3A_836, %add3A_300], %add3A_844 : memref<16x8x128xf32, #tpu.memory_space<vmem>>[vector<16xi32>, vector<16xi32>, vector<16xi32>], vector<16xf32>,
        %gather3A_845 = tpu.vector_load_idx %arg8[%add3A_270, %add3A_825] : memref<256x64xf32, #tpu.memory_space<vmem>>[vector<16xi32>, vector<16xi32>], vector<16xf32>,
        %add3A_846 = arith.addf %gather3A_845, %gather3A_828 : vector<16xf32>
        tpu.vector_store_idx %arg9[%add3A_833, %and3A_836, %add3A_303], %add3A_846 : memref<16x8x128xf32, #tpu.memory_space<vmem>>[vector<16xi32>, vector<16xi32>, vector<16xi32>], vector<16xf32>,
        %gather3A_847 = tpu.vector_load_idx %arg8[%add3A_276, %add3A_825] : memref<256x64xf32, #tpu.memory_space<vmem>>[vector<16xi32>, vector<16xi32>], vector<16xf32>,
        %add3A_848 = arith.addf %gather3A_847, %gather3A_828 : vector<16xf32>
        tpu.vector_store_idx %arg9[%add3A_833, %and3A_836, %add3A_306], %add3A_848 : memref<16x8x128xf32, #tpu.memory_space<vmem>>[vector<16xi32>, vector<16xi32>, vector<16xi32>], vector<16xf32>,
        %gather3A_849 = tpu.vector_load_idx %arg8[%add3A_282, %add3A_825] : memref<256x64xf32, #tpu.memory_space<vmem>>[vector<16xi32>, vector<16xi32>], vector<16xf32>,
        %add3A_850 = arith.addf %gather3A_849, %gather3A_828 : vector<16xf32>
        tpu.vector_store_idx %arg9[%add3A_833, %and3A_836, %add3A_309], %add3A_850 : memref<16x8x128xf32, #tpu.memory_space<vmem>>[vector<16xi32>, vector<16xi32>, vector<16xi32>], vector<16xf32>,
        %gather3A_851 = tpu.vector_load_idx %arg8[%add3A_288, %add3A_825] : memref<256x64xf32, #tpu.memory_space<vmem>>[vector<16xi32>, vector<16xi32>], vector<16xf32>,
        %add3A_852 = arith.addf %gather3A_851, %gather3A_828 : vector<16xf32>
        tpu.vector_store_idx %arg9[%add3A_833, %and3A_836, %add3A_312], %add3A_852 : memref<16x8x128xf32, #tpu.memory_space<vmem>>[vector<16xi32>, vector<16xi32>, vector<16xi32>], vector<16xf32>,
      }
      %scan3A_320 = arith.constant 4 : i32
      %multiple_of3A_321 = tpu.assume_multiple %mul3A_314, 8 : i32
      %dma_start3A_322 = arith.constant 0 : i32
      %dma_start3A_323 = arith.constant 0 : i32
      %dma_start3A_324 = tpu.memref_slice %arg9[%multiple_of3A_321, %dma_start3A_322, %dma_start3A_323] : memref<16x8x128xf32, #tpu.memory_space<vmem>> -> memref<8x8x128xf32, #tpu.memory_space<vmem>>
      %dma_start3A_325 = arith.constant 0 : i32
      %dma_start3A_326 = arith.constant 0 : i32
      %dma_start3A_327 = arith.constant 0 : i32
      %dma_start3A_328 = tpu.memref_slice %arg5[%add3A_220, %dma_start3A_325, %select_n3A, %dma_start3A_326, %dma_start3A_327] : memref<200x8x8x8x128xf32, #tpu.memory_space<hbm>> -> memref<1x8x1x8x128xf32, #tpu.memory_space<hbm>>
      %dma_start3A_329 = tpu.memref_squeeze %dma_start3A_328 : memref<1x8x1x8x128xf32, #tpu.memory_space<hbm>> -> memref<8x8x128xf32, #tpu.memory_space<hbm>>
      %dma_start3A_330 = arith.constant 0 : i32
      %dma_start3A_331 = arith.constant 0 : i32
      %dma_start3A_332 = arith.constant 0 : i32
      %dma_start3A_333 = tpu.memref_slice %arg5[%add3A_220, %dma_start3A_330, %select_n3A, %dma_start3A_331, %dma_start3A_332] : memref<200x8x8x8x128xf32, #tpu.memory_space<hbm>> -> memref<1x8x1x8x128xf32, #tpu.memory_space<hbm>>
      %dma_start3A_334 = tpu.memref_squeeze %dma_start3A_333 : memref<1x8x1x8x128xf32, #tpu.memory_space<hbm>> -> memref<8x8x128xf32, #tpu.memory_space<hbm>>
      %dma_start3A_335 = arith.constant 0 : i32
      %dma_start3A_336 = arith.constant 0 : i32
      %dma_start3A_337 = tpu.memref_slice %arg9[%multiple_of3A_321, %dma_start3A_335, %dma_start3A_336] : memref<16x8x128xf32, #tpu.memory_space<vmem>> -> memref<8x8x128xf32, #tpu.memory_space<vmem>>
      tpu.enqueue_dma source(%dma_start3A_337 : memref<8x8x128xf32, #tpu.memory_space<vmem>>) target(%dma_start3A_334 : memref<8x8x128xf32, #tpu.memory_space<hbm>>) target_semaphore(%arg12 : memref<!tpu.dma_semaphore, #tpu.memory_space<semaphore_mem>>)
    }
    %scan3A_159 = arith.constant 50 : i32
    %add3A_160 = arith.constant 50 : i32
    %add3A_161 = arith.addi %mul3A_32, %add3A_160 : i32
    %sub3A_162 = arith.constant 2 : i32
    %sub3A_163 = arith.subi %add3A_161, %sub3A_162 : i32
    %dma_wait3A = arith.constant 0 : i32
    %dma_wait3A_164 = arith.constant 0 : i32
    %dma_wait3A_165 = arith.constant 0 : i32
    %dma_wait3A_166 = tpu.memref_slice %arg9[%dma_wait3A, %dma_wait3A_164, %dma_wait3A_165] : memref<16x8x128xf32, #tpu.memory_space<vmem>> -> memref<8x8x128xf32, #tpu.memory_space<vmem>>
    %dma_wait3A_167 = arith.constant 0 : i32
    %dma_wait3A_168 = arith.constant 0 : i32
    %dma_wait3A_169 = arith.constant 0 : i32
    %dma_wait3A_170 = tpu.memref_slice %arg5[%sub3A_163, %dma_wait3A_167, %select_n3A, %dma_wait3A_168, %dma_wait3A_169] : memref<200x8x8x8x128xf32, #tpu.memory_space<hbm>> -> memref<1x8x1x8x128xf32, #tpu.memory_space<hbm>>
    %dma_wait3A_171 = tpu.memref_squeeze %dma_wait3A_170 : memref<1x8x1x8x128xf32, #tpu.memory_space<hbm>> -> memref<8x8x128xf32, #tpu.memory_space<hbm>>
    %dma_wait3A_172 = arith.constant 0 : i32
    %dma_wait3A_173 = arith.constant 0 : i32
    %dma_wait3A_174 = arith.constant 0 : i32
    %dma_wait3A_175 = tpu.memref_slice %arg5[%sub3A_163, %dma_wait3A_172, %select_n3A, %dma_wait3A_173, %dma_wait3A_174] : memref<200x8x8x8x128xf32, #tpu.memory_space<hbm>> -> memref<1x8x1x8x128xf32, #tpu.memory_space<hbm>>
    %dma_wait3A_176 = tpu.memref_squeeze %dma_wait3A_175 : memref<1x8x1x8x128xf32, #tpu.memory_space<hbm>> -> memref<8x8x128xf32, #tpu.memory_space<hbm>>
    %dma_wait3A_177 = arith.constant 0 : i32
    %dma_wait3A_178 = arith.constant 0 : i32
    %dma_wait3A_179 = arith.constant 0 : i32
    %dma_wait3A_180 = tpu.memref_slice %arg9[%dma_wait3A_177, %dma_wait3A_178, %dma_wait3A_179] : memref<16x8x128xf32, #tpu.memory_space<vmem>> -> memref<8x8x128xf32, #tpu.memory_space<vmem>>
    tpu.wait_dma2 semaphore(%arg12 : memref<!tpu.dma_semaphore, #tpu.memory_space<semaphore_mem>>) src(%dma_wait3A_180 : memref<8x8x128xf32, #tpu.memory_space<vmem>>) dst(%dma_wait3A_176 : memref<8x8x128xf32, #tpu.memory_space<hbm>>)
    %add3A_181 = arith.constant 50 : i32
    %add3A_182 = arith.addi %mul3A_32, %add3A_181 : i32
    %sub3A_183 = arith.constant 1 : i32
    %sub3A_184 = arith.subi %add3A_182, %sub3A_183 : i32
    %dma_wait3A_185 = arith.constant 0 : i32
    %dma_wait3A_186 = arith.constant 0 : i32
    %dma_wait3A_187 = arith.constant 0 : i32
    %dma_wait3A_188 = tpu.memref_slice %arg9[%dma_wait3A_185, %dma_wait3A_186, %dma_wait3A_187] : memref<16x8x128xf32, #tpu.memory_space<vmem>> -> memref<8x8x128xf32, #tpu.memory_space<vmem>>
    %dma_wait3A_189 = arith.constant 0 : i32
    %dma_wait3A_190 = arith.constant 0 : i32
    %dma_wait3A_191 = arith.constant 0 : i32
    %dma_wait3A_192 = tpu.memref_slice %arg5[%sub3A_184, %dma_wait3A_189, %select_n3A, %dma_wait3A_190, %dma_wait3A_191] : memref<200x8x8x8x128xf32, #tpu.memory_space<hbm>> -> memref<1x8x1x8x128xf32, #tpu.memory_space<hbm>>
    %dma_wait3A_193 = tpu.memref_squeeze %dma_wait3A_192 : memref<1x8x1x8x128xf32, #tpu.memory_space<hbm>> -> memref<8x8x128xf32, #tpu.memory_space<hbm>>
    %dma_wait3A_194 = arith.constant 0 : i32
    %dma_wait3A_195 = arith.constant 0 : i32
    %dma_wait3A_196 = arith.constant 0 : i32
    %dma_wait3A_197 = tpu.memref_slice %arg5[%sub3A_184, %dma_wait3A_194, %select_n3A, %dma_wait3A_195, %dma_wait3A_196] : memref<200x8x8x8x128xf32, #tpu.memory_space<hbm>> -> memref<1x8x1x8x128xf32, #tpu.memory_space<hbm>>
    %dma_wait3A_198 = tpu.memref_squeeze %dma_wait3A_197 : memref<1x8x1x8x128xf32, #tpu.memory_space<hbm>> -> memref<8x8x128xf32, #tpu.memory_space<hbm>>
    %dma_wait3A_199 = arith.constant 0 : i32
    %dma_wait3A_200 = arith.constant 0 : i32
    %dma_wait3A_201 = arith.constant 0 : i32
    %dma_wait3A_202 = tpu.memref_slice %arg9[%dma_wait3A_199, %dma_wait3A_200, %dma_wait3A_201] : memref<16x8x128xf32, #tpu.memory_space<vmem>> -> memref<8x8x128xf32, #tpu.memory_space<vmem>>
    tpu.wait_dma2 semaphore(%arg12 : memref<!tpu.dma_semaphore, #tpu.memory_space<semaphore_mem>>) src(%dma_wait3A_202 : memref<8x8x128xf32, #tpu.memory_space<vmem>>) dst(%dma_wait3A_198 : memref<8x8x128xf32, #tpu.memory_space<hbm>>)
    return
  }
}

</mosaic_0001>

<sc_bundles>
// kernel: kernel.3.cloned.1.call-start
scs
__scs_entry_jumppad:
0x0: {  	(pc) =	sbr.rel $0x88, $3  }
0x1: {  	(tag) =	ssettag $0x0;
	lr =	simm.s32 $0x1  }
0x2: {  	[smem:$0x3F9E] =	sst lr;
	_ =	strace $0xD0000000  }
0x3: {  	_ = 	snop  }
0x4: {  	_ = 	snop  }
0x5: {  	_ = 	snop  }
0x6: {  	_ = 	snop  }
0x7: {  	_ = 	snop  }
__scs_overlays_trampoline_lowered:
0x8: {  	[smem:$0x3FAD] =	sst s0  }
0x9: {  	[smem:$0x3FAE] =	sst s1  }
0xa: {  	[smem:$0x3FAF] =	sst s2  }
0xb: {  	[smem:$0x3FB0] =	sst s3  }
0xc: {  	[smem:$0x3FB1] =	sst s4  }
0xd: {  	[smem:$0x3FB2] =	sst s5  }
0xe: {  	[smem:$0x3FB3] =	sst s6  }
0xf: {  	[smem:$0x3FB4] =	sst s7  }
0x10: {  	[smem:$0x3FB5] =	sst s8  }
0x11: {  	[smem:$0x3FB6] =	sst s9;
	s0 =	simm.s32 @!p0 $0x0  }
0x12: {  	s1 =	sld [smem:$0x3F9C];
	s0 =	simm.s32 @p0 $0x1  }
0x13: {  	[smem:$0x3FB7] =	sst s0;
	s0 =	simm.s32 @!p1 $0x0  }
0x14: {  	s2 =	sld [smem:$0x3F9B];
	s0 =	simm.s32 @p1 $0x1  }
0x15: {  	[smem:$0x3FB8] =	sst s0;
	s0 =	simm.s32 @!p2 $0x0  }
0x16: {  	s3 =	sld [smem:$0x3FDB];
	s0 =	simm.s32 @p2 $0x1  }
0x17: {  	s4 =	simm.s32 $0x1BF5;
	[smem:$0x3FBA] =	sst s0  }
0x18: {  	s0 =	sld [smem:$0x3F9D];
	_ =	swait.ge [sflag:s4], $0x0  }
0x19: {  	s7 =	sld [smem:$0x3F9E]  }
0x1a: {  	s8 =	sadd.s32 $0xFFFFE003, lr  }
0x1b: {  	s9 =	sadd.s32 $0xFFFFFEF7, lr;
	s5 =	simm.s32 $0xFFFFFFFF;
	p2 =	slt.u32 s8, $0xFFFFF086  }
0x1c: {  	p1 =	slt.u32 s9, $0xF7A;
	s5 =	simm.s32 @!p2 $0x0  }
0x1d: {  	s5 =	simm.s32 @p1 $0x1;
	p0 =	seq.s32 s7, s2  }
0x1e: {  	s7 =	smul.u32 @!p0 $0xF7A, s2;
	p2 =	seq.s32 @!p0 s5, $0x0  }
0x1f: {  	s9 =	smul.u32 $0xF7A, s1;
	s8 =	simm.s32 @!p0 $0x1BF5;
	p2 =	por !p2, p0  }
0x20: {  	[sflag:s8] =	ssyncset.s32 @!p0 $0xFFFFF086;
	s6 =	sadd.s32 @!p0 s3, s7;
	s7 =	simm.s32 @!p0 $0x108  }
0x21: {  	s3 =	sadd.s32 s3, s9;
	s6 =	sadd.s32 @!p0 $0x88, s6;
	s7 =	simm.s32 @p2 $0x1082  }
0x22: {  	[simem:s7], [sflag:s8] =	dma.local @!p0 [hbm:s6], $0xF7A  }
0x23: {  	s9 =	sor.u32 $0xD0000000, s2;
	s6 =	simm.s32 $0x108;
	_ =	swait.ge @!p0 [sflag:s8], $0x0  }
0x24: {  	s3 =	sadd.s32 $0x88, s3;
	s6 =	simm.s32 @!p1 $0x1082;
	[sflag:s4] =	ssyncset.s32 $0xFFFFF086  }
0x25: {  	[simem:s6], [sflag:s4] =	dma.local [hbm:s3], $0xF7A  }
0x26: {  	[smem:$0x3F9E] =	sst s1;
	(tag) =	ssettag s2;
	_ =	strace s9  }
0x27: {  	s1 =	sld [smem:$0x3FAE]  }
0x28: {  	s2 =	sld [smem:$0x3FAF]  }
0x29: {  	s4 =	sld [smem:$0x3FB1]  }
0x2a: {  	p0 =	seq.s32 s5, $0x0;
	s5 =	sld [smem:$0x3FB2]  }
0x2b: {  	s6 =	sld [smem:$0x3FB3]  }
0x2c: {  	s7 =	sld [smem:$0x3FB4]  }
0x2d: {  	s3 =	simm.s32 $0x108;
	s8 =	sld [smem:$0x3FB5]  }
0x2e: {  	s3 =	simm.s32 @!p0 $0x1082;
	s9 =	sld [smem:$0x3FB6]  }
0x2f: {  	lr =	sadd.s32 s0, s3;
	s0 =	sld [smem:$0x3FAD]  }
0x30: {  	s3 =	sld [smem:$0x3FB0]  }
0x31: {  	[smem:$0x3FB9] =	sst s10  }
0x32: {  	s10 =	sld [smem:$0x3FB7];
	_ =	sdelay $0x3  }
0x33: {  	p0 =	seq.s32 s10, $0x1;
	s10 =	sld [smem:$0x3FB9];
	_ =	sdelay $0x3  }
0x34: {  	[smem:$0x3FB9] =	sst s10  }
0x35: {  	s10 =	sld [smem:$0x3FB8];
	_ =	sdelay $0x3  }
0x36: {  	p1 =	seq.s32 s10, $0x1;
	s10 =	sld [smem:$0x3FB9];
	_ =	sdelay $0x3  }
0x37: {  	[smem:$0x3FB9] =	sst s10  }
0x38: {  	s10 =	sld [smem:$0x3FBA]  }
0x39: {  	_ = 	snop;
	(pc) =	sbr.ind lr, $3  }
0x3a: {  	_ = 	snop  }
0x3b: {  	_ = 	snop  }
0x3c: {  	p2 =	seq.s32 s10, $0x1;
	s10 =	sld [smem:$0x3FB9]  }
0x3d: {  	_ =	shalt  }
0x3e: {  	_ =	shalt  }
0x3f: {  	_ =	shalt  }
0x40: {  	_ =	shalt  }
0x41: {  	_ =	shalt  }
0x42: {  	_ =	shalt  }
0x43: {  	_ =	shalt  }
0x44: {  	_ =	shalt  }
0x45: {  	_ =	shalt  }
0x46: {  	_ =	shalt  }
0x47: {  	_ =	shalt  }
0x48: {  	_ =	shalt  }
0x49: {  	_ =	shalt  }
0x4a: {  	_ =	shalt  }
0x4b: {  	_ =	shalt  }
0x4c: {  	_ =	shalt  }
0x4d: {  	_ =	shalt  }
0x4e: {  	_ =	shalt  }
0x4f: {  	_ =	shalt  }
0x50: {  	_ =	shalt  }
0x51: {  	_ =	shalt  }
0x52: {  	_ =	shalt  }
0x53: {  	_ =	shalt  }
0x54: {  	_ =	shalt  }
0x55: {  	_ =	shalt  }
0x56: {  	_ =	shalt  }
0x57: {  	_ =	shalt  }
0x58: {  	_ =	shalt  }
0x59: {  	_ =	shalt  }
0x5a: {  	_ =	shalt  }
0x5b: {  	_ =	shalt  }
0x5c: {  	_ =	shalt  }
0x5d: {  	_ =	shalt  }
0x5e: {  	_ =	shalt  }
0x5f: {  	_ =	shalt  }
0x60: {  	_ =	shalt  }
0x61: {  	_ =	shalt  }
0x62: {  	_ =	shalt  }
0x63: {  	_ =	shalt  }
0x64: {  	_ =	shalt  }
0x65: {  	_ =	shalt  }
0x66: {  	_ =	shalt  }
0x67: {  	_ =	shalt  }
0x68: {  	_ =	shalt  }
0x69: {  	_ =	shalt  }
0x6a: {  	_ =	shalt  }
0x6b: {  	_ =	shalt  }
0x6c: {  	_ =	shalt  }
0x6d: {  	_ =	shalt  }
0x6e: {  	_ =	shalt  }
0x6f: {  	_ =	shalt  }
0x70: {  	_ =	shalt  }
0x71: {  	_ =	shalt  }
0x72: {  	_ =	shalt  }
0x73: {  	_ =	shalt  }
0x74: {  	_ =	shalt  }
0x75: {  	_ =	shalt  }
0x76: {  	_ =	shalt  }
0x77: {  	_ =	shalt  }
0x78: {  	_ =	shalt  }
0x79: {  	_ =	shalt  }
0x7a: {  	_ =	shalt  }
0x7b: {  	_ =	shalt  }
0x7c: {  	_ =	shalt  }
0x7d: {  	_ =	shalt  }
0x7e: {  	_ =	shalt  }
0x7f: {  	_ =	shalt  }
0x80: {  	_ =	shalt  }
0x81: {  	_ =	shalt  }
0x82: {  	_ =	shalt  }
0x83: {  	_ =	shalt  }
0x84: {  	_ =	shalt  }
0x85: {  	_ =	shalt  }
0x86: {  	_ =	shalt  }
0x87: {  	_ =	shalt  }
.Lfunc_end0:
.L_simem_size_0:
called_computation_lowered:
.L_overlay_start_0:
0x88: {  	s2 =	sld [smem:$0x3FD9]  }
0x89: {  	s3 =	sld [smem:$0x3FFE];
	_ =	sdelay $0x1  }
0x8a: {  	s1 =	srdreg.scid  }
0x8b: {  	s0 =	sand.u32 $0x1, s1  }
0x8c: {  	s17 =	sshll.u32 s0, $0xA;
	s2 =	sadd.s32 s3, s2  }
0x8d: {  	s2 =	sadd.s32 s2, s17  }
0x8e: {  	[smem:$0x3FC5] =	sst s2  }
0x8f: {  	_ = 	snop  }
0x90: {  	s2 =	sld [smem:$0x3FD0];
	(tm) =	ssettm $0x1  }
0x91: {  	s18 =	sld [smem:$0x3FFB];
	_ =	sdelay $0x3  }
0x92: {  	_ =	strace s18  }
0x93: {  	s3 =	sld [smem:$0x3FFC];
	_ =	sdelay $0x3  }
0x94: {  	_ =	strace s3  }
0x95: {  	s3 =	sld [smem:$0x3FFD];
	_ =	sdelay $0x3  }
0x96: {  	_ =	strace s3  }
0x97: {  	_ =	strace $0x8FFFFFFF  }
0x98: {  	s19 =	sld [smem:$0x3FDB];
	_ =	sdelay $0x1  }
0x99: {  	s4 =	simm.s32 $_scs_section_size  }
0x9a: {  	s5 =	simm.s32 $_size__tile_overlayer_lowered;
	s6 =	simm.s32 $_tile_overlayer_lowered  }
0x9b: {  	s22 =	simm.s32 $0x1BFF;
	s21 =	sshll.u32 s6, $0x1;
	s3 =	sadd.s32 s4, s19  }
0x9c: {  	s7 =	simm.s32 $0x0;
	s20 =	sshll.u32 s5, $0x1;
	s5 =	sadd.s32 s21, s3  }
0x9d: {  	[timem:s7], [sflag:s22] =	dma.local [hbm:s5], s20  }
0x9e: {  	_ =	swait.ge [sflag:s22], s20  }
0x9f: {  	s4 =	ssub.s32 $0x0, s20;
	[sflag:s22] =	ssyncset.done $0x0  }
0xa0: {  	[sflag:s22] =	ssyncadd.s32 s4;
	_ =	sdelay $0x1  }
0xa1: {  	s23 =	simm.s32 $0x1B8B  }
0xa2: {  	_ =	swait.ge [sflag:s23], $0x1  }
0xa3: {  	[sflag:s23] =	ssyncset.done $0x0  }
0xa4: {  	s25 =	simm.s32 $0x1B8E;
	s24 =	sld [smem:$0x3FFE];
	[sflag:s23] =	ssyncadd.s32 $0xFFFFFFFF  }
0xa5: {  	s26 =	simm.s32 $execute0_lowered;
	[smem:$0x3FD2] =	sst s25  }
0xa6: {  	s5 =	sshll.u32 s26, $0x1;
	_ =	strace $0x80000046;
	[dreg:$0x1] =	wrdreg $0xFFFFFFFF  }
0xa7: {  	s28 =	simm.s32 $_size_execute0_lowered;
	s3 =	sadd.s32 s3, s5;
	[dreg:$0x0] =	wrdreg $0x0  }
0xa8: {  	s5 =	sshll.u32 s28, $0x1;
	[dreg:$0x2] =	wrdreg s3  }
0xa9: {  	[dreg:$0x3] =	wrdreg s5  }
0xaa: {  	[dreg:$0x4] =	wrdreg $0xC0  }
0xab: {  	_ =	task [dreg:s7], $0x5FFFF  }
0xac: {  	[dreg:$0x1] =	wrdreg $0xFFFFFFFF  }
0xad: {  	[dreg:$0x0] =	wrdreg $0x60  }
0xae: {  	[dreg:$0x2] =	wrdreg s24  }
0xaf: {  	[dreg:$0x3] =	wrdreg s2  }
0xb0: {  	[dreg:$0x4] =	wrdreg $0x9  }
0xb1: {  	_ =	task.clear_ibuf [dreg:s7], $0x5FFFF;
	_ =	strace $0x90000046  }
0xb2: {  	s29 =	simm.s32 $0x9;
	_ =	strace $0x80000048  }
0xb3: {  	_ =	swait.ge [sflag:s29], $0x1  }
0xb4: {  	[sflag:s29] =	ssyncadd.s32 $0xFFFFFFFF  }
0xb5: {  	_ =	strace $0x90000048  }
0xb6: {  	_ =	sfence  }
0xb7: {  	s30 =	sld [smem:$0x0];
	_ =	sdelay $0x2  }
0xb8: {  	s31 =	sshll.u32 s1, $0xD;
	s1 =	sshrl.u32 s1, $0x2  }
0xb9: {  	s3 =	sand.u32 $0x4000, s31;
	s1 =	sadd.s32 s1, s30  }
0xba: {  	s0 =	sor.u32 s3, s0;
	s1 =	sshll.u32 s1, $0x11  }
0xbb: {  	s0 =	sor.u32 s1, s0  }
0xbc: {  	s0 =	sadd.s32 $0x8F2B, s0  }
0xbd: {  	[sflag:s0] =	ssyncadd.remote.s32 $0x1  }
0xbe: {  	_ =	sfence.sel $0xFFFF  }
0xbf: {  	[dreg:$0x0] =	wrdreg $0xFFFFFFFF;
	(pc) =	sbr.abs _section_cstart, $3  }
0xc0: {  	[dreg:$0x1] =	wrdreg $0xFFFFFFFF  }
0xc1: {  	_ =	task.clear_ibuf [dreg:s7], $0x2FFFF;
	_ =	strace $0x9FFFFFFF  }
0xc2: {  	(tm) =	ssettm $0x7FFFFFFF  }
0xc3: {  	_ =	shalt  }
tec
execute0_lowered:
.L_overlay_start_1:
0x0: {  	(tag) =	ssettag $0x1  }
0x1: {  	s4 =	rddreg [dreg:$0x0]  }
0x2: {  	s6 =	rddreg [dreg:$0x1]  }
0x3: {  	s1 =	stileid.u32;
	s0 =	rddreg [dreg:$0x2]  }
0x4: {  	s2 =	srdreg.scid;
	s12 =	simm.s32 $0x80;
	s13 =	simm.s32 $0x2580  }
0x5: {  	s14 =	simm.s32 $0x2;
	s15 =	simm.s32 $0x6580;
	s16 =	simm.s32 $0x400  }
0x6: {  	s17 =	simm.s32 $0x2000;
	s18 =	simm.s32 $0x3;
	s19 =	simm.s32 $0x0  }
0x7: {  	s3 =	sshll.u32 s1, $0x1;
	s5 =	sand.u32 $0x1, s1;
	s7 =	sand.u32 $0x1, s2  }
0x8: {  	s2 =	simm.s32 $0x0;
	s11 =	sshrl.u32 s1, $0x1;
	s3 =	sand.u32 $0x2, s3  }
0x9: {  	s5 =	smul.u32 $0x3200, s5;
	[smem:$0x7FF] =	sst s2;
	s29 =	ssub.s32 $0x2, s7  }
0xa: {  	s31 =	sshll.u32 s11, $0x4;
	s11 =	sshll.u32 s11, $0x7;
	s8 =	sor.u32 s7, s3  }
0xb: {  	_ =	strace $0x80000047;
	s3 =	sadd.s32 $0x7000, s4;
	s7 =	smul.u32 $0x1900, s7  }
0xc: {  	s30 =	sshrl.u32 s29, $0x1;
	s9 =	smul.u32 $0x190, s8;
	s10 =	sadd.s32 s5, s4  }
0xd: {  	v0 =	vlaneseq.u32;
	s6 =	sadd.s32 s6, s11;
	s11 =	simm.s32 $0x1;
	s10 =	sadd.s32 s7, s10  }
0xe: {  	v1 =	vmul.u32 $0x40, v0;
	v2 =	vor.u32 $0x10, v0;
	s28 =	sadd.s32 s9, s4;
	s9 =	ssub.s32 s29, s30;
	s4 =	smul.u32 $0x32, s8  }
0xf: {  	v3 =	vor.u32 $0x20, v0;
	v4 =	vor.u32 $0x30, v0;
	v5 =	vor.u32 $0x40, v0;
	s8 =	sadd.s32 s31, s10;
	s10 =	simm.s32 $0x4;
	s5 =	sadd.s32 $0x400, s28  }
0x10: {  	v6 =	vor.u32 $0x50, v0;
	v7 =	vor.u32 $0x60, v0;
	v8 =	vor.u32 $0x70, v0;
	s7 =	smax.u32 s9, $0x1;
	s8 =	sadd.s32 $0xC00, s8;
	s9 =	simm.s32 $0x1900  }
.LBB2_1:
0x11: {  	s20 =	simm.s32 $0x80  }
0x12: {  	s23 =	sadd.s32 $0x0, s8;
	s21 =	simm.s32 $0x80;
	s22 =	simm.s32 $0x0  }
.LBB2_2:
0x13: {  	[tilespmem:s22], [sflag:$0x1] =	stream.linear.gather [hbm4b:s23+s2], $0x80, $0x38;
	[tilespmem:$0xA580] =	vst v63  }
0x14: {  	s23 =	smov.u32 s20;
	s22 =	smov.u32 s21;
	p0 =	sne.s32 s20, $0x1880  }
.Ltmp0:
0x15: {  	s20 =	sadd.s32 $0x80, s20;
	(pc) =	sbr.rel @p0 .LBB2_2-.Ltmp0, $2  }
0x16: {  	_ =	sdelay $0x2  }
0x17: {  	s21 =	sadd.s32 $0x80, s21;
	s23 =	sadd.s32 s23, s8  }
0x18: {  	[tilespmem:s22], [sflag:$0x1] =	stream.linear.gather [hbm4b:s23+s2], $0x80, $0x38;
	[tilespmem:$0xA580] =	vst v63  }
0x19: {  	_ = 	snop  }
0x1a: {  	[tilespmem:s9], [sflag:$0x4] =	stream.linear.gather [hbm4b:s5+s2], $0xC80, $0x38;
	[tilespmem:$0xA580] =	vst v63  }
0x1b: {  	_ =	swait.ge [sflag:s10], $0xC80  }
0x1c: {  	[sflag:s10] =	ssyncset.done $0x0  }
0x1d: {  	[sflag:s10] =	ssyncadd.s32 $0xFFFFF380  }
0x1e: {  	_ =	swait.ge [sflag:s11], $0x80  }
0x1f: {  	s20 =	simm.s32 $0x31;
	[sflag:s11] =	ssyncset.done $0x0  }
.LBB2_4:
0x20: {  	p0 =	sne.s32 s20, $0x1;
	s20 =	sadd.s32 $0xFFFFFFFF, s20;
	[sflag:s11] =	ssyncadd.s32 $0xFFFFFF80  }
.Ltmp1:
0x21: {  	(pc) =	sbr.rel @p0 .LBB2_4-.Ltmp1, $3  }
0x22: {  	_ =	sdelay $0x1  }
0x23: {  	_ =	swait.ge [sflag:s11], $0x80  }
0x24: {  	[sflag:s11] =	ssyncset.done $0x0  }
0x25: {  	[sflag:s11] =	ssyncadd.s32 $0xFFFFFF80;
	s20 =	simm.s32 $0x0  }
0x26: {  	[tilespmem:s13], [sflag:$0x2] =	stream.indirect.gather [hbm4b:s3+s12], $0x40, s20, s12, $0xb8;
	[tilespmem:$0xA580] =	vst v63  }
.LBB2_6:
0x27: {  	p0 =	seq.s32 s20, $0x31  }
0x28: {  	s21 =	sand.u32 $0x1, s20;
	s22 =	sadd.s32 @!p0 $0x1, s20  }
0x29: {  	s24 =	simm.s32 @!p0 $0x80;
	s30 =	sshll.u32 s21, $0x7;
	s23 =	sshll.u32 @!p0 s22, $0xD  }
0x2a: {  	s22 =	sshll.u32 @!p0 s22, $0x7;
	s31 =	sor.u32 $0x10, s30;
	s23 =	sand.u32 @!p0 $0x2000, s23  }
0x2b: {  	v9 =	vmov s30;
	s26 =	sor.u32 $0x40, s30;
	s22 =	sand.u32 @!p0 $0x3FFFFF80, s22;
	v10 =	vmov s31;
	s23 =	sadd.s32 @!p0 $0x2580, s23  }
0x2c: {  	v11 =	vshll.u32 v9, $0x6;
	v12 =	vshll.u32 v10, $0x6;
	v10 =	vmov s26;
	[tilespmem:s23], [sflag:$0x2] =	stream.indirect.gather @!p0 [hbm4b:s3+s24], $0x40, s22, s24, $0xb8;
	[tilespmem:$0xA580] =	vst v63  }
0x2d: {  	v11 =	vor.u32 v1, v11;
	s24 =	sor.u32 $0x20, s30;
	v15 =	vshll.u32 v10, $0x6;
	s22 =	sor.u32 $0x70, s30;
	v12 =	vor.u32 v1, v12  }
0x2e: {  	s25 =	sor.u32 $0x30, s30;
	s28 =	sor.u32 $0x50, s30;
	v9 =	vmov s24;
	_ =	swait.ge [sflag:s14], $0x2000;
	v10 =	vmov s22;
	v15 =	vor.u32 v1, v15  }
0x2f: {  	s31 =	sshll.u32 s21, $0x3;
	p0 =	slt.u32 s20, $0x2;
	v13 =	vshll.u32 v9, $0x6;
	v9 =	vmov s25;
	[sflag:s14] =	ssyncset.done $0x0;
	v18 =	vshll.u32 v10, $0x6  }
0x30: {  	s29 =	sor.u32 $0x60, s30;
	s23 =	simm.s32 @!p0 $0x3;
	v10 =	vmov s31;
	v14 =	vshll.u32 v9, $0x6;
	v9 =	vmov s28;
	[sflag:s14] =	ssyncadd.s32 $0xFFFFE000  }
0x31: {  	v13 =	vor.u32 v1, v13;
	v16 =	vshll.u32 v9, $0x6;
	v9 =	vmov s29;
	_ =	swait.ge @!p0 [sflag:s23], $0x2000  }
0x32: {  	s30 =	sshll.u32 s20, $0x6;
	v18 =	vor.u32 v1, v18;
	v14 =	vor.u32 v1, v14;
	v17 =	vshll.u32 v9, $0x6;
	[sflag:s23] =	ssyncset.done @!p0 $0x0  }
0x33: {  	s22 =	sadd.s32 s4, s20;
	v9 =	vmov s30;
	v16 =	vor.u32 v1, v16;
	[sflag:s23] =	ssyncadd.s32 @!p0 $0xFFFFE000;
	v17 =	vor.u32 v1, v17;
	s23 =	simm.s32 $0x0  }
.LBB2_7:
0x34: {  	v20 =	vadd.s32 s23, v0  }
0x35: {  	v21 =	vand.u32 $0xF, v20  }
0x36: {  	v19 =	vor.u32 v9, v21  }
0x37: {  	v22 =	vor.u32 v11, v21;
	_ =	sdelay $0x2  }
0x38: {  	v23 =	vshrl.u32 v21, $0x3  }
0x39: {  	v30 =	vshll.u32 v20, $0x7;
	v24 =	vld.idx.msk [tilespmem:v19+s9+$0x0], $0xffff;
	v19 =	vor.u32 v10, v23  }
0x3a: {  	v22 =	vld.idx.msk [tilespmem:v22+s13+$0x0], $0xffff;
	v25 =	vshll.u32 v19, $0xA;
	v19 =	vand.u32 $0x380, v30  }
0x3b: {  	v23 =	vor.u32 v19, v25  }
0x3c: {  	v25 =	vor.u32 v0, v23  }
0x3d: {  	v26 =	vor.u32 v12, v21;
	_ =	sdelay $0x1  }
0x3e: {  	v22 =	vadd.f32 v22, v24;
	_ =	sdelay $0x1  }
0x3f: {  	[tilespmem:v25+s15+$0x0] =	vst.idx.msk $0xffff, v22  }
0x40: {  	v22 =	vld.idx.msk [tilespmem:v26+s13+$0x0], $0xffff;
	_ =	sdelay $0x1  }
0x41: {  	v31 =	vor.u32 v2, v23  }
0x42: {  	v32 =	vor.u32 v13, v21;
	_ =	sdelay $0x1  }
0x43: {  	v22 =	vadd.f32 v22, v24;
	_ =	sdelay $0x1  }
0x44: {  	[tilespmem:v31+s15+$0x0] =	vst.idx.msk $0xffff, v22  }
0x45: {  	v22 =	vld.idx.msk [tilespmem:v32+s13+$0x0], $0xffff;
	_ =	sdelay $0x1  }
0x46: {  	v33 =	vor.u32 v3, v23  }
0x47: {  	v34 =	vor.u32 v14, v21;
	_ =	sdelay $0x1  }
0x48: {  	v22 =	vadd.f32 v22, v24;
	_ =	sdelay $0x1  }
0x49: {  	[tilespmem:v33+s15+$0x0] =	vst.idx.msk $0xffff, v22  }
0x4a: {  	v22 =	vld.idx.msk [tilespmem:v34+s13+$0x0], $0xffff;
	_ =	sdelay $0x1  }
0x4b: {  	v35 =	vor.u32 v4, v23  }
0x4c: {  	v36 =	vor.u32 v15, v21;
	_ =	sdelay $0x1  }
0x4d: {  	v22 =	vadd.f32 v22, v24;
	_ =	sdelay $0x1  }
0x4e: {  	[tilespmem:v35+s15+$0x0] =	vst.idx.msk $0xffff, v22  }
0x4f: {  	v22 =	vld.idx.msk [tilespmem:v36+s13+$0x0], $0xffff;
	_ =	sdelay $0x1  }
0x50: {  	v37 =	vor.u32 v5, v23  }
0x51: {  	v38 =	vor.u32 v16, v21;
	_ =	sdelay $0x1  }
0x52: {  	v22 =	vadd.f32 v22, v24;
	_ =	sdelay $0x1  }
0x53: {  	[tilespmem:v37+s15+$0x0] =	vst.idx.msk $0xffff, v22  }
0x54: {  	v22 =	vld.idx.msk [tilespmem:v38+s13+$0x0], $0xffff;
	_ =	sdelay $0x1  }
0x55: {  	v39 =	vor.u32 v6, v23  }
0x56: {  	v40 =	vor.u32 v17, v21;
	_ =	sdelay $0x1  }
0x57: {  	v22 =	vadd.f32 v22, v24;
	_ =	sdelay $0x1  }
0x58: {  	[tilespmem:v39+s15+$0x0] =	vst.idx.msk $0xffff, v22  }
0x59: {  	v22 =	vld.idx.msk [tilespmem:v40+s13+$0x0], $0xffff;
	_ =	sdelay $0x1  }
0x5a: {  	v41 =	vor.u32 v7, v23  }
0x5b: {  	v42 =	vor.u32 v18, v21;
	_ =	sdelay $0x1  }
0x5c: {  	v22 =	vadd.f32 v22, v24;
	_ =	sdelay $0x1  }
0x5d: {  	[tilespmem:v41+s15+$0x0] =	vst.idx.msk $0xffff, v22  }
0x5e: {  	v22 =	vld.idx.msk [tilespmem:v42+s13+$0x0], $0xffff;
	_ =	sdelay $0x1  }
0x5f: {  	v43 =	vor.u32 $0x10, v20;
	v23 =	vor.u32 v8, v23  }
0x60: {  	v44 =	vor.u32 v9, v43;
	v27 =	vand.u32 $0x1F, v43  }
0x61: {  	v28 =	vor.u32 v11, v27  }
0x62: {  	v22 =	vadd.f32 v22, v24;
	_ =	sdelay $0x1  }
0x63: {  	v45 =	vshrl.u32 v43, $0x3;
	[tilespmem:v23+s15+$0x0] =	vst.idx.msk $0xffff, v22  }
0x64: {  	v22 =	vadd.s32 v10, v45;
	v23 =	vld.idx.msk [tilespmem:v44+s9+$0x0], $0xffff  }
0x65: {  	v46 =	vld.idx.msk [tilespmem:v28+s13+$0x0], $0xffff;
	v22 =	vshll.u32 v22, $0xA  }
0x66: {  	v22 =	vor.u32 v19, v22  }
0x67: {  	v47 =	vor.u32 v0, v22  }
0x68: {  	v48 =	vor.u32 v12, v27;
	_ =	sdelay $0x1  }
0x69: {  	v24 =	vadd.f32 v46, v23;
	_ =	sdelay $0x1  }
0x6a: {  	[tilespmem:v47+s15+$0x0] =	vst.idx.msk $0xffff, v24  }
0x6b: {  	v24 =	vld.idx.msk [tilespmem:v48+s13+$0x0], $0xffff;
	_ =	sdelay $0x1  }
0x6c: {  	v49 =	vor.u32 v2, v22  }
0x6d: {  	v50 =	vor.u32 v13, v27;
	_ =	sdelay $0x1  }
0x6e: {  	v24 =	vadd.f32 v24, v23;
	_ =	sdelay $0x1  }
0x6f: {  	[tilespmem:v49+s15+$0x0] =	vst.idx.msk $0xffff, v24  }
0x70: {  	v24 =	vld.idx.msk [tilespmem:v50+s13+$0x0], $0xffff;
	_ =	sdelay $0x1  }
0x71: {  	v51 =	vor.u32 v3, v22  }
0x72: {  	v52 =	vor.u32 v14, v27;
	_ =	sdelay $0x1  }
0x73: {  	v24 =	vadd.f32 v24, v23;
	_ =	sdelay $0x1  }
0x74: {  	[tilespmem:v51+s15+$0x0] =	vst.idx.msk $0xffff, v24  }
0x75: {  	v24 =	vld.idx.msk [tilespmem:v52+s13+$0x0], $0xffff;
	_ =	sdelay $0x1  }
0x76: {  	v53 =	vor.u32 v4, v22  }
0x77: {  	v54 =	vor.u32 v15, v27;
	_ =	sdelay $0x1  }
0x78: {  	v24 =	vadd.f32 v24, v23;
	_ =	sdelay $0x1  }
0x79: {  	[tilespmem:v53+s15+$0x0] =	vst.idx.msk $0xffff, v24  }
0x7a: {  	v24 =	vld.idx.msk [tilespmem:v54+s13+$0x0], $0xffff;
	_ =	sdelay $0x1  }
0x7b: {  	v55 =	vor.u32 v5, v22  }
0x7c: {  	v56 =	vor.u32 v16, v27;
	_ =	sdelay $0x1  }
0x7d: {  	v24 =	vadd.f32 v24, v23;
	_ =	sdelay $0x1  }
0x7e: {  	[tilespmem:v55+s15+$0x0] =	vst.idx.msk $0xffff, v24  }
0x7f: {  	v24 =	vld.idx.msk [tilespmem:v56+s13+$0x0], $0xffff;
	_ =	sdelay $0x1  }
0x80: {  	v57 =	vor.u32 v6, v22  }
0x81: {  	v58 =	vor.u32 v17, v27;
	_ =	sdelay $0x1  }
0x82: {  	v24 =	vadd.f32 v24, v23;
	_ =	sdelay $0x1  }
0x83: {  	[tilespmem:v57+s15+$0x0] =	vst.idx.msk $0xffff, v24  }
0x84: {  	v24 =	vld.idx.msk [tilespmem:v58+s13+$0x0], $0xffff;
	_ =	sdelay $0x1  }
0x85: {  	v59 =	vor.u32 v7, v22  }
0x86: {  	v60 =	vor.u32 v18, v27;
	_ =	sdelay $0x1  }
0x87: {  	v24 =	vadd.f32 v24, v23;
	_ =	sdelay $0x1  }
0x88: {  	[tilespmem:v59+s15+$0x0] =	vst.idx.msk $0xffff, v24  }
0x89: {  	v21 =	vor.u32 $0x20, v21;
	v24 =	vld.idx.msk [tilespmem:v60+s13+$0x0], $0xffff  }
0x8a: {  	v61 =	vand.u32 $0x7, v20;
	v62 =	vand.u32 $0x28, v21  }
0x8b: {  	v25 =	vor.u32 v61, v62;
	v22 =	vor.u32 v8, v22  }
0x8c: {  	v26 =	vor.u32 v9, v25  }
0x8d: {  	v63 =	vor.u32 v11, v25  }
0x8e: {  	v23 =	vadd.f32 v24, v23;
	_ =	sdelay $0x1  }
0x8f: {  	v21 =	vshrl.u32 v21, $0x3;
	[tilespmem:v22+s15+$0x0] =	vst.idx.msk $0xffff, v23  }
0x90: {  	v21 =	vor.u32 v10, v21;
	v22 =	vld.idx.msk [tilespmem:v26+s9+$0x0], $0xffff  }
0x91: {  	v21 =	vshll.u32 v21, $0xA;
	v23 =	vld.idx.msk [tilespmem:v63+s13+$0x0], $0xffff  }
0x92: {  	v21 =	vor.u32 v19, v21  }
0x93: {  	v29 =	vor.u32 v0, v21  }
0x94: {  	v30 =	vor.u32 v12, v25;
	_ =	sdelay $0x1  }
0x95: {  	v23 =	vadd.f32 v23, v22;
	_ =	sdelay $0x1  }
0x96: {  	[tilespmem:v29+s15+$0x0] =	vst.idx.msk $0xffff, v23  }
0x97: {  	v23 =	vld.idx.msk [tilespmem:v30+s13+$0x0], $0xffff;
	_ =	sdelay $0x1  }
0x98: {  	v31 =	vor.u32 v2, v21  }
0x99: {  	v32 =	vor.u32 v13, v25;
	_ =	sdelay $0x1  }
0x9a: {  	v23 =	vadd.f32 v23, v22;
	_ =	sdelay $0x1  }
0x9b: {  	[tilespmem:v31+s15+$0x0] =	vst.idx.msk $0xffff, v23  }
0x9c: {  	v23 =	vld.idx.msk [tilespmem:v32+s13+$0x0], $0xffff;
	_ =	sdelay $0x1  }
0x9d: {  	v33 =	vor.u32 v3, v21  }
0x9e: {  	v34 =	vor.u32 v14, v25;
	_ =	sdelay $0x1  }
0x9f: {  	v23 =	vadd.f32 v23, v22;
	_ =	sdelay $0x1  }
0xa0: {  	[tilespmem:v33+s15+$0x0] =	vst.idx.msk $0xffff, v23  }
0xa1: {  	v23 =	vld.idx.msk [tilespmem:v34+s13+$0x0], $0xffff;
	_ =	sdelay $0x1  }
0xa2: {  	v35 =	vor.u32 v4, v21  }
0xa3: {  	v36 =	vor.u32 v15, v25;
	_ =	sdelay $0x1  }
0xa4: {  	v23 =	vadd.f32 v23, v22;
	_ =	sdelay $0x1  }
0xa5: {  	[tilespmem:v35+s15+$0x0] =	vst.idx.msk $0xffff, v23  }
0xa6: {  	v23 =	vld.idx.msk [tilespmem:v36+s13+$0x0], $0xffff;
	_ =	sdelay $0x1  }
0xa7: {  	v37 =	vor.u32 v5, v21  }
0xa8: {  	v38 =	vor.u32 v16, v25;
	_ =	sdelay $0x1  }
0xa9: {  	v23 =	vadd.f32 v23, v22;
	_ =	sdelay $0x1  }
0xaa: {  	[tilespmem:v37+s15+$0x0] =	vst.idx.msk $0xffff, v23  }
0xab: {  	v23 =	vld.idx.msk [tilespmem:v38+s13+$0x0], $0xffff;
	_ =	sdelay $0x1  }
0xac: {  	v39 =	vor.u32 v6, v21  }
0xad: {  	v40 =	vor.u32 v17, v25;
	_ =	sdelay $0x1  }
0xae: {  	v23 =	vadd.f32 v23, v22;
	_ =	sdelay $0x1  }
0xaf: {  	[tilespmem:v39+s15+$0x0] =	vst.idx.msk $0xffff, v23  }
0xb0: {  	v23 =	vld.idx.msk [tilespmem:v40+s13+$0x0], $0xffff;
	_ =	sdelay $0x1  }
0xb1: {  	v41 =	vor.u32 v7, v21  }
0xb2: {  	v25 =	vor.u32 v18, v25;
	_ =	sdelay $0x1  }
0xb3: {  	v23 =	vadd.f32 v23, v22;
	_ =	sdelay $0x1  }
0xb4: {  	[tilespmem:v41+s15+$0x0] =	vst.idx.msk $0xffff, v23  }
0xb5: {  	v23 =	vld.idx.msk [tilespmem:v25+s13+$0x0], $0xffff;
	_ =	sdelay $0x1  }
0xb6: {  	v20 =	vor.u32 $0x30, v20;
	v21 =	vor.u32 v8, v21  }
0xb7: {  	v43 =	vand.u32 $0x3F, v20;
	v42 =	vor.u32 v9, v20  }
0xb8: {  	v44 =	vor.u32 v11, v43  }
0xb9: {  	v22 =	vadd.f32 v23, v22;
	_ =	sdelay $0x1  }
0xba: {  	v20 =	vshrl.u32 v20, $0x3;
	[tilespmem:v21+s15+$0x0] =	vst.idx.msk $0xffff, v22  }
0xbb: {  	v20 =	vadd.s32 v10, v20;
	v21 =	vld.idx.msk [tilespmem:v42+s9+$0x0], $0xffff  }
0xbc: {  	v20 =	vshll.u32 v20, $0xA;
	v22 =	vld.idx.msk [tilespmem:v44+s13+$0x0], $0xffff  }
0xbd: {  	v19 =	vor.u32 v19, v20  }
0xbe: {  	v20 =	vor.u32 v0, v19  }
0xbf: {  	v45 =	vor.u32 v12, v43;
	_ =	sdelay $0x1  }
0xc0: {  	v22 =	vadd.f32 v22, v21;
	_ =	sdelay $0x1  }
0xc1: {  	[tilespmem:v20+s15+$0x0] =	vst.idx.msk $0xffff, v22  }
0xc2: {  	v20 =	vld.idx.msk [tilespmem:v45+s13+$0x0], $0xffff;
	_ =	sdelay $0x1  }
0xc3: {  	v46 =	vor.u32 v2, v19  }
0xc4: {  	v47 =	vor.u32 v13, v43;
	_ =	sdelay $0x1  }
0xc5: {  	v20 =	vadd.f32 v20, v21;
	_ =	sdelay $0x1  }
0xc6: {  	[tilespmem:v46+s15+$0x0] =	vst.idx.msk $0xffff, v20  }
0xc7: {  	v20 =	vld.idx.msk [tilespmem:v47+s13+$0x0], $0xffff;
	_ =	sdelay $0x1  }
0xc8: {  	v48 =	vor.u32 v3, v19  }
0xc9: {  	v49 =	vor.u32 v14, v43;
	_ =	sdelay $0x1  }
0xca: {  	v20 =	vadd.f32 v20, v21;
	_ =	sdelay $0x1  }
0xcb: {  	[tilespmem:v48+s15+$0x0] =	vst.idx.msk $0xffff, v20  }
0xcc: {  	v20 =	vld.idx.msk [tilespmem:v49+s13+$0x0], $0xffff;
	_ =	sdelay $0x1  }
0xcd: {  	v50 =	vor.u32 v4, v19  }
0xce: {  	v51 =	vor.u32 v15, v43;
	_ =	sdelay $0x1  }
0xcf: {  	v20 =	vadd.f32 v20, v21;
	_ =	sdelay $0x1  }
0xd0: {  	[tilespmem:v50+s15+$0x0] =	vst.idx.msk $0xffff, v20  }
0xd1: {  	v20 =	vld.idx.msk [tilespmem:v51+s13+$0x0], $0xffff;
	_ =	sdelay $0x1  }
0xd2: {  	v52 =	vor.u32 v5, v19  }
0xd3: {  	v53 =	vor.u32 v16, v43;
	_ =	sdelay $0x1  }
0xd4: {  	v20 =	vadd.f32 v20, v21;
	_ =	sdelay $0x1  }
0xd5: {  	[tilespmem:v52+s15+$0x0] =	vst.idx.msk $0xffff, v20  }
0xd6: {  	v20 =	vld.idx.msk [tilespmem:v53+s13+$0x0], $0xffff;
	_ =	sdelay $0x1  }
0xd7: {  	v54 =	vor.u32 v6, v19  }
0xd8: {  	v55 =	vor.u32 v17, v43;
	_ =	sdelay $0x1  }
0xd9: {  	v20 =	vadd.f32 v20, v21;
	_ =	sdelay $0x1  }
0xda: {  	[tilespmem:v54+s15+$0x0] =	vst.idx.msk $0xffff, v20  }
0xdb: {  	v20 =	vld.idx.msk [tilespmem:v55+s13+$0x0], $0xffff;
	_ =	sdelay $0x1  }
0xdc: {  	v56 =	vor.u32 v7, v19  }
0xdd: {  	v57 =	vor.u32 v18, v43;
	_ =	sdelay $0x1  }
0xde: {  	v20 =	vadd.f32 v20, v21;
	_ =	sdelay $0x1  }
0xdf: {  	[tilespmem:v56+s15+$0x0] =	vst.idx.msk $0xffff, v20  }
0xe0: {  	s24 =	sadd.s32 $0x1, s23;
	v22 =	vld.idx.msk [tilespmem:v57+s13+$0x0], $0xffff  }
0xe1: {  	v58 =	vadd.s32 s24, v0  }
0xe2: {  	v19 =	vor.u32 v8, v19;
	v20 =	vand.u32 $0xF, v58  }
0xe3: {  	v59 =	vor.u32 v9, v20  }
0xe4: {  	v60 =	vor.u32 v11, v20  }
0xe5: {  	v21 =	vadd.f32 v22, v21;
	_ =	sdelay $0x1  }
0xe6: {  	[tilespmem:v19+s15+$0x0] =	vst.idx.msk $0xffff, v21;
	v19 =	vshrl.u32 v20, $0x3  }
0xe7: {  	v61 =	vshll.u32 v58, $0x7;
	v21 =	vld.idx.msk [tilespmem:v59+s9+$0x0], $0xffff;
	v19 =	vor.u32 v10, v19  }
0xe8: {  	v62 =	vld.idx.msk [tilespmem:v60+s13+$0x0], $0xffff;
	v63 =	vshll.u32 v19, $0xA;
	v19 =	vand.u32 $0x380, v61  }
0xe9: {  	v22 =	vor.u32 v19, v63  }
0xea: {  	v25 =	vor.u32 v0, v22  }
0xeb: {  	v28 =	vor.u32 v12, v20;
	_ =	sdelay $0x1  }
0xec: {  	v24 =	vadd.f32 v62, v21;
	_ =	sdelay $0x1  }
0xed: {  	[tilespmem:v25+s15+$0x0] =	vst.idx.msk $0xffff, v24  }
0xee: {  	v24 =	vld.idx.msk [tilespmem:v28+s13+$0x0], $0xffff;
	_ =	sdelay $0x1  }
0xef: {  	v29 =	vor.u32 v2, v22  }
0xf0: {  	v30 =	vor.u32 v13, v20;
	_ =	sdelay $0x1  }
0xf1: {  	v24 =	vadd.f32 v24, v21;
	_ =	sdelay $0x1  }
0xf2: {  	[tilespmem:v29+s15+$0x0] =	vst.idx.msk $0xffff, v24  }
0xf3: {  	v24 =	vld.idx.msk [tilespmem:v30+s13+$0x0], $0xffff;
	_ =	sdelay $0x1  }
0xf4: {  	v31 =	vor.u32 v3, v22  }
0xf5: {  	v32 =	vor.u32 v14, v20;
	_ =	sdelay $0x1  }
0xf6: {  	v24 =	vadd.f32 v24, v21;
	_ =	sdelay $0x1  }
0xf7: {  	[tilespmem:v31+s15+$0x0] =	vst.idx.msk $0xffff, v24  }
0xf8: {  	v24 =	vld.idx.msk [tilespmem:v32+s13+$0x0], $0xffff;
	_ =	sdelay $0x1  }
0xf9: {  	v33 =	vor.u32 v4, v22  }
0xfa: {  	v34 =	vor.u32 v15, v20;
	_ =	sdelay $0x1  }
0xfb: {  	v24 =	vadd.f32 v24, v21;
	_ =	sdelay $0x1  }
0xfc: {  	[tilespmem:v33+s15+$0x0] =	vst.idx.msk $0xffff, v24  }
0xfd: {  	v24 =	vld.idx.msk [tilespmem:v34+s13+$0x0], $0xffff;
	_ =	sdelay $0x1  }
0xfe: {  	v35 =	vor.u32 v5, v22  }
0xff: {  	v36 =	vor.u32 v16, v20;
	_ =	sdelay $0x1  }
0x100: {  	v24 =	vadd.f32 v24, v21;
	_ =	sdelay $0x1  }
0x101: {  	[tilespmem:v35+s15+$0x0] =	vst.idx.msk $0xffff, v24  }
0x102: {  	v24 =	vld.idx.msk [tilespmem:v36+s13+$0x0], $0xffff;
	_ =	sdelay $0x1  }
0x103: {  	v37 =	vor.u32 v6, v22  }
0x104: {  	v38 =	vor.u32 v17, v20;
	_ =	sdelay $0x1  }
0x105: {  	v24 =	vadd.f32 v24, v21;
	_ =	sdelay $0x1  }
0x106: {  	[tilespmem:v37+s15+$0x0] =	vst.idx.msk $0xffff, v24  }
0x107: {  	v24 =	vld.idx.msk [tilespmem:v38+s13+$0x0], $0xffff;
	_ =	sdelay $0x1  }
0x108: {  	v39 =	vor.u32 v7, v22  }
0x109: {  	v40 =	vor.u32 v18, v20;
	_ =	sdelay $0x1  }
0x10a: {  	v24 =	vadd.f32 v24, v21;
	_ =	sdelay $0x1  }
0x10b: {  	[tilespmem:v39+s15+$0x0] =	vst.idx.msk $0xffff, v24  }
0x10c: {  	v41 =	vor.u32 $0x10, v20;
	v24 =	vld.idx.msk [tilespmem:v40+s13+$0x0], $0xffff  }
0x10d: {  	v23 =	vand.u32 $0x7, v58;
	v42 =	vand.u32 $0x18, v41  }
0x10e: {  	v26 =	vor.u32 v23, v42;
	v22 =	vor.u32 v8, v22  }
0x10f: {  	v43 =	vor.u32 v9, v26  }
0x110: {  	v44 =	vor.u32 v11, v26  }
0x111: {  	v21 =	vadd.f32 v24, v21;
	_ =	sdelay $0x1  }
0x112: {  	v45 =	vshrl.u32 v41, $0x3;
	[tilespmem:v22+s15+$0x0] =	vst.idx.msk $0xffff, v21  }
0x113: {  	v21 =	vor.u32 v10, v45;
	v22 =	vld.idx.msk [tilespmem:v43+s9+$0x0], $0xffff  }
0x114: {  	v46 =	vld.idx.msk [tilespmem:v44+s13+$0x0], $0xffff;
	v21 =	vshll.u32 v21, $0xA  }
0x115: {  	v21 =	vor.u32 v19, v21  }
0x116: {  	v47 =	vor.u32 v0, v21  }
0x117: {  	v48 =	vor.u32 v12, v26;
	_ =	sdelay $0x1  }
0x118: {  	v24 =	vadd.f32 v46, v22;
	_ =	sdelay $0x1  }
0x119: {  	[tilespmem:v47+s15+$0x0] =	vst.idx.msk $0xffff, v24  }
0x11a: {  	v24 =	vld.idx.msk [tilespmem:v48+s13+$0x0], $0xffff;
	_ =	sdelay $0x1  }
0x11b: {  	v49 =	vor.u32 v2, v21  }
0x11c: {  	v50 =	vor.u32 v13, v26;
	_ =	sdelay $0x1  }
0x11d: {  	v24 =	vadd.f32 v24, v22;
	_ =	sdelay $0x1  }
0x11e: {  	[tilespmem:v49+s15+$0x0] =	vst.idx.msk $0xffff, v24  }
0x11f: {  	v24 =	vld.idx.msk [tilespmem:v50+s13+$0x0], $0xffff;
	_ =	sdelay $0x1  }
0x120: {  	v51 =	vor.u32 v3, v21  }
0x121: {  	v52 =	vor.u32 v14, v26;
	_ =	sdelay $0x1  }
0x122: {  	v24 =	vadd.f32 v24, v22;
	_ =	sdelay $0x1  }
0x123: {  	[tilespmem:v51+s15+$0x0] =	vst.idx.msk $0xffff, v24  }
0x124: {  	v24 =	vld.idx.msk [tilespmem:v52+s13+$0x0], $0xffff;
	_ =	sdelay $0x1  }
0x125: {  	v53 =	vor.u32 v4, v21  }
0x126: {  	v54 =	vor.u32 v15, v26;
	_ =	sdelay $0x1  }
0x127: {  	v24 =	vadd.f32 v24, v22;
	_ =	sdelay $0x1  }
0x128: {  	[tilespmem:v53+s15+$0x0] =	vst.idx.msk $0xffff, v24  }
0x129: {  	v24 =	vld.idx.msk [tilespmem:v54+s13+$0x0], $0xffff;
	_ =	sdelay $0x1  }
0x12a: {  	v55 =	vor.u32 v5, v21  }
0x12b: {  	v56 =	vor.u32 v16, v26;
	_ =	sdelay $0x1  }
0x12c: {  	v24 =	vadd.f32 v24, v22;
	_ =	sdelay $0x1  }
0x12d: {  	[tilespmem:v55+s15+$0x0] =	vst.idx.msk $0xffff, v24  }
0x12e: {  	v24 =	vld.idx.msk [tilespmem:v56+s13+$0x0], $0xffff;
	_ =	sdelay $0x1  }
0x12f: {  	v57 =	vor.u32 v6, v21  }
0x130: {  	v58 =	vor.u32 v17, v26;
	_ =	sdelay $0x1  }
0x131: {  	v24 =	vadd.f32 v24, v22;
	_ =	sdelay $0x1  }
0x132: {  	[tilespmem:v57+s15+$0x0] =	vst.idx.msk $0xffff, v24  }
0x133: {  	v24 =	vld.idx.msk [tilespmem:v58+s13+$0x0], $0xffff;
	_ =	sdelay $0x1  }
0x134: {  	v59 =	vor.u32 v7, v21  }
0x135: {  	v26 =	vor.u32 v18, v26;
	_ =	sdelay $0x1  }
0x136: {  	v24 =	vadd.f32 v24, v22;
	_ =	sdelay $0x1  }
0x137: {  	[tilespmem:v59+s15+$0x0] =	vst.idx.msk $0xffff, v24  }
0x138: {  	v60 =	vor.u32 $0x20, v20;
	v24 =	vld.idx.msk [tilespmem:v26+s13+$0x0], $0xffff  }
0x139: {  	v61 =	vand.u32 $0x28, v60  }
0x13a: {  	v21 =	vor.u32 v8, v21;
	v26 =	vor.u32 v23, v61  }
0x13b: {  	v62 =	vor.u32 v9, v26  }
0x13c: {  	v63 =	vor.u32 v11, v26  }
0x13d: {  	v22 =	vadd.f32 v24, v22;
	_ =	sdelay $0x1  }
0x13e: {  	v29 =	vshrl.u32 v60, $0x3;
	[tilespmem:v21+s15+$0x0] =	vst.idx.msk $0xffff, v22  }
0x13f: {  	v21 =	vor.u32 v10, v29;
	v22 =	vld.idx.msk [tilespmem:v62+s9+$0x0], $0xffff  }
0x140: {  	v30 =	vld.idx.msk [tilespmem:v63+s13+$0x0], $0xffff;
	v21 =	vshll.u32 v21, $0xA  }
0x141: {  	v21 =	vor.u32 v19, v21  }
0x142: {  	v31 =	vor.u32 v0, v21  }
0x143: {  	v32 =	vor.u32 v12, v26;
	_ =	sdelay $0x1  }
0x144: {  	v24 =	vadd.f32 v30, v22;
	_ =	sdelay $0x1  }
0x145: {  	[tilespmem:v31+s15+$0x0] =	vst.idx.msk $0xffff, v24  }
0x146: {  	v24 =	vld.idx.msk [tilespmem:v32+s13+$0x0], $0xffff;
	_ =	sdelay $0x1  }
0x147: {  	v33 =	vor.u32 v2, v21  }
0x148: {  	v34 =	vor.u32 v13, v26;
	_ =	sdelay $0x1  }
0x149: {  	v24 =	vadd.f32 v24, v22;
	_ =	sdelay $0x1  }
0x14a: {  	[tilespmem:v33+s15+$0x0] =	vst.idx.msk $0xffff, v24  }
0x14b: {  	v24 =	vld.idx.msk [tilespmem:v34+s13+$0x0], $0xffff;
	_ =	sdelay $0x1  }
0x14c: {  	v35 =	vor.u32 v3, v21  }
0x14d: {  	v36 =	vor.u32 v14, v26;
	_ =	sdelay $0x1  }
0x14e: {  	v24 =	vadd.f32 v24, v22;
	_ =	sdelay $0x1  }
0x14f: {  	[tilespmem:v35+s15+$0x0] =	vst.idx.msk $0xffff, v24  }
0x150: {  	v24 =	vld.idx.msk [tilespmem:v36+s13+$0x0], $0xffff;
	_ =	sdelay $0x1  }
0x151: {  	v37 =	vor.u32 v4, v21  }
0x152: {  	v38 =	vor.u32 v15, v26;
	_ =	sdelay $0x1  }
0x153: {  	v24 =	vadd.f32 v24, v22;
	_ =	sdelay $0x1  }
0x154: {  	[tilespmem:v37+s15+$0x0] =	vst.idx.msk $0xffff, v24  }
0x155: {  	v24 =	vld.idx.msk [tilespmem:v38+s13+$0x0], $0xffff;
	_ =	sdelay $0x1  }
0x156: {  	v39 =	vor.u32 v5, v21  }
0x157: {  	v40 =	vor.u32 v16, v26;
	_ =	sdelay $0x1  }
0x158: {  	v24 =	vadd.f32 v24, v22;
	_ =	sdelay $0x1  }
0x159: {  	[tilespmem:v39+s15+$0x0] =	vst.idx.msk $0xffff, v24  }
0x15a: {  	v24 =	vld.idx.msk [tilespmem:v40+s13+$0x0], $0xffff;
	_ =	sdelay $0x1  }
0x15b: {  	v41 =	vor.u32 v6, v21  }
0x15c: {  	v42 =	vor.u32 v17, v26;
	_ =	sdelay $0x1  }
0x15d: {  	v24 =	vadd.f32 v24, v22;
	_ =	sdelay $0x1  }
0x15e: {  	[tilespmem:v41+s15+$0x0] =	vst.idx.msk $0xffff, v24  }
0x15f: {  	v24 =	vld.idx.msk [tilespmem:v42+s13+$0x0], $0xffff;
	_ =	sdelay $0x1  }
0x160: {  	v43 =	vor.u32 v7, v21  }
0x161: {  	v26 =	vor.u32 v18, v26;
	_ =	sdelay $0x1  }
0x162: {  	v24 =	vadd.f32 v24, v22;
	_ =	sdelay $0x1  }
0x163: {  	[tilespmem:v43+s15+$0x0] =	vst.idx.msk $0xffff, v24  }
0x164: {  	v20 =	vor.u32 $0x30, v20;
	v24 =	vld.idx.msk [tilespmem:v26+s13+$0x0], $0xffff  }
0x165: {  	v44 =	vand.u32 $0x38, v20  }
0x166: {  	v23 =	vor.u32 v23, v44;
	v21 =	vor.u32 v8, v21  }
0x167: {  	v25 =	vor.u32 v9, v23  }
0x168: {  	v45 =	vor.u32 v11, v23  }
0x169: {  	v22 =	vadd.f32 v24, v22;
	_ =	sdelay $0x1  }
0x16a: {  	v20 =	vshrl.u32 v20, $0x3;
	[tilespmem:v21+s15+$0x0] =	vst.idx.msk $0xffff, v22  }
0x16b: {  	v20 =	vor.u32 v10, v20;
	v21 =	vld.idx.msk [tilespmem:v25+s9+$0x0], $0xffff  }
0x16c: {  	v20 =	vshll.u32 v20, $0xA;
	v22 =	vld.idx.msk [tilespmem:v45+s13+$0x0], $0xffff  }
0x16d: {  	v19 =	vor.u32 v19, v20  }
0x16e: {  	v20 =	vor.u32 v0, v19  }
0x16f: {  	v46 =	vor.u32 v12, v23;
	_ =	sdelay $0x1  }
0x170: {  	v22 =	vadd.f32 v22, v21;
	_ =	sdelay $0x1  }
0x171: {  	[tilespmem:v20+s15+$0x0] =	vst.idx.msk $0xffff, v22  }
0x172: {  	v20 =	vld.idx.msk [tilespmem:v46+s13+$0x0], $0xffff;
	_ =	sdelay $0x1  }
0x173: {  	v47 =	vor.u32 v2, v19  }
0x174: {  	v48 =	vor.u32 v13, v23;
	_ =	sdelay $0x1  }
0x175: {  	v20 =	vadd.f32 v20, v21;
	_ =	sdelay $0x1  }
0x176: {  	[tilespmem:v47+s15+$0x0] =	vst.idx.msk $0xffff, v20  }
0x177: {  	v20 =	vld.idx.msk [tilespmem:v48+s13+$0x0], $0xffff;
	_ =	sdelay $0x1  }
0x178: {  	v49 =	vor.u32 v3, v19  }
0x179: {  	v50 =	vor.u32 v14, v23;
	_ =	sdelay $0x1  }
0x17a: {  	v20 =	vadd.f32 v20, v21;
	_ =	sdelay $0x1  }
0x17b: {  	[tilespmem:v49+s15+$0x0] =	vst.idx.msk $0xffff, v20  }
0x17c: {  	v20 =	vld.idx.msk [tilespmem:v50+s13+$0x0], $0xffff;
	_ =	sdelay $0x1  }
0x17d: {  	v51 =	vor.u32 v4, v19  }
0x17e: {  	v52 =	vor.u32 v15, v23;
	_ =	sdelay $0x1  }
0x17f: {  	v20 =	vadd.f32 v20, v21;
	_ =	sdelay $0x1  }
0x180: {  	[tilespmem:v51+s15+$0x0] =	vst.idx.msk $0xffff, v20  }
0x181: {  	v20 =	vld.idx.msk [tilespmem:v52+s13+$0x0], $0xffff;
	_ =	sdelay $0x1  }
0x182: {  	v53 =	vor.u32 v5, v19  }
0x183: {  	v54 =	vor.u32 v16, v23;
	_ =	sdelay $0x1  }
0x184: {  	v20 =	vadd.f32 v20, v21;
	_ =	sdelay $0x1  }
0x185: {  	[tilespmem:v53+s15+$0x0] =	vst.idx.msk $0xffff, v20  }
0x186: {  	v20 =	vld.idx.msk [tilespmem:v54+s13+$0x0], $0xffff;
	_ =	sdelay $0x1  }
0x187: {  	v55 =	vor.u32 v6, v19  }
0x188: {  	v56 =	vor.u32 v17, v23;
	_ =	sdelay $0x1  }
0x189: {  	v20 =	vadd.f32 v20, v21;
	_ =	sdelay $0x1  }
0x18a: {  	[tilespmem:v55+s15+$0x0] =	vst.idx.msk $0xffff, v20  }
0x18b: {  	v20 =	vld.idx.msk [tilespmem:v56+s13+$0x0], $0xffff;
	_ =	sdelay $0x1  }
0x18c: {  	v57 =	vor.u32 v7, v19  }
0x18d: {  	v23 =	vor.u32 v18, v23;
	_ =	sdelay $0x1  }
0x18e: {  	v20 =	vadd.f32 v20, v21;
	_ =	sdelay $0x1  }
0x18f: {  	[tilespmem:v57+s15+$0x0] =	vst.idx.msk $0xffff, v20  }
0x190: {  	s30 =	sadd.s32 $0x2, s23;
	v22 =	vld.idx.msk [tilespmem:v23+s13+$0x0], $0xffff  }
0x191: {  	v58 =	vadd.s32 s30, v0  }
0x192: {  	v19 =	vor.u32 v8, v19;
	v20 =	vand.u32 $0xF, v58  }
0x193: {  	v59 =	vor.u32 v9, v20  }
0x194: {  	v60 =	vor.u32 v11, v20  }
0x195: {  	v21 =	vadd.f32 v22, v21;
	_ =	sdelay $0x1  }
0x196: {  	[tilespmem:v19+s15+$0x0] =	vst.idx.msk $0xffff, v21;
	v19 =	vshrl.u32 v20, $0x3  }
0x197: {  	v61 =	vshll.u32 v58, $0x7;
	v21 =	vld.idx.msk [tilespmem:v59+s9+$0x0], $0xffff;
	v19 =	vor.u32 v10, v19  }
0x198: {  	v62 =	vld.idx.msk [tilespmem:v60+s13+$0x0], $0xffff;
	v63 =	vshll.u32 v19, $0xA;
	v19 =	vand.u32 $0x380, v61  }
0x199: {  	v22 =	vor.u32 v19, v63  }
0x19a: {  	v25 =	vor.u32 v0, v22  }
0x19b: {  	v28 =	vor.u32 v12, v20;
	_ =	sdelay $0x1  }
0x19c: {  	v24 =	vadd.f32 v62, v21;
	_ =	sdelay $0x1  }
0x19d: {  	[tilespmem:v25+s15+$0x0] =	vst.idx.msk $0xffff, v24  }
0x19e: {  	v24 =	vld.idx.msk [tilespmem:v28+s13+$0x0], $0xffff;
	_ =	sdelay $0x1  }
0x19f: {  	v29 =	vor.u32 v2, v22  }
0x1a0: {  	v30 =	vor.u32 v13, v20;
	_ =	sdelay $0x1  }
0x1a1: {  	v24 =	vadd.f32 v24, v21;
	_ =	sdelay $0x1  }
0x1a2: {  	[tilespmem:v29+s15+$0x0] =	vst.idx.msk $0xffff, v24  }
0x1a3: {  	v24 =	vld.idx.msk [tilespmem:v30+s13+$0x0], $0xffff;
	_ =	sdelay $0x1  }
0x1a4: {  	v31 =	vor.u32 v3, v22  }
0x1a5: {  	v32 =	vor.u32 v14, v20;
	_ =	sdelay $0x1  }
0x1a6: {  	v24 =	vadd.f32 v24, v21;
	_ =	sdelay $0x1  }
0x1a7: {  	[tilespmem:v31+s15+$0x0] =	vst.idx.msk $0xffff, v24  }
0x1a8: {  	v24 =	vld.idx.msk [tilespmem:v32+s13+$0x0], $0xffff;
	_ =	sdelay $0x1  }
0x1a9: {  	v33 =	vor.u32 v4, v22  }
0x1aa: {  	v34 =	vor.u32 v15, v20;
	_ =	sdelay $0x1  }
0x1ab: {  	v24 =	vadd.f32 v24, v21;
	_ =	sdelay $0x1  }
0x1ac: {  	[tilespmem:v33+s15+$0x0] =	vst.idx.msk $0xffff, v24  }
0x1ad: {  	v24 =	vld.idx.msk [tilespmem:v34+s13+$0x0], $0xffff;
	_ =	sdelay $0x1  }
0x1ae: {  	v35 =	vor.u32 v5, v22  }
0x1af: {  	v36 =	vor.u32 v16, v20;
	_ =	sdelay $0x1  }
0x1b0: {  	v24 =	vadd.f32 v24, v21;
	_ =	sdelay $0x1  }
0x1b1: {  	[tilespmem:v35+s15+$0x0] =	vst.idx.msk $0xffff, v24  }
0x1b2: {  	v24 =	vld.idx.msk [tilespmem:v36+s13+$0x0], $0xffff;
	_ =	sdelay $0x1  }
0x1b3: {  	v37 =	vor.u32 v6, v22  }
0x1b4: {  	v38 =	vor.u32 v17, v20;
	_ =	sdelay $0x1  }
0x1b5: {  	v24 =	vadd.f32 v24, v21;
	_ =	sdelay $0x1  }
0x1b6: {  	[tilespmem:v37+s15+$0x0] =	vst.idx.msk $0xffff, v24  }
0x1b7: {  	v24 =	vld.idx.msk [tilespmem:v38+s13+$0x0], $0xffff;
	_ =	sdelay $0x1  }
0x1b8: {  	v39 =	vor.u32 v7, v22  }
0x1b9: {  	v40 =	vor.u32 v18, v20;
	_ =	sdelay $0x1  }
0x1ba: {  	v24 =	vadd.f32 v24, v21;
	_ =	sdelay $0x1  }
0x1bb: {  	[tilespmem:v39+s15+$0x0] =	vst.idx.msk $0xffff, v24  }
0x1bc: {  	v41 =	vor.u32 $0x10, v20;
	v24 =	vld.idx.msk [tilespmem:v40+s13+$0x0], $0xffff  }
0x1bd: {  	v23 =	vand.u32 $0x7, v58;
	v42 =	vand.u32 $0x18, v41  }
0x1be: {  	v26 =	vor.u32 v23, v42;
	v22 =	vor.u32 v8, v22  }
0x1bf: {  	v43 =	vor.u32 v9, v26  }
0x1c0: {  	v44 =	vor.u32 v11, v26  }
0x1c1: {  	v21 =	vadd.f32 v24, v21;
	_ =	sdelay $0x1  }
0x1c2: {  	v45 =	vshrl.u32 v41, $0x3;
	[tilespmem:v22+s15+$0x0] =	vst.idx.msk $0xffff, v21  }
0x1c3: {  	v21 =	vor.u32 v10, v45;
	v22 =	vld.idx.msk [tilespmem:v43+s9+$0x0], $0xffff  }
0x1c4: {  	v46 =	vld.idx.msk [tilespmem:v44+s13+$0x0], $0xffff;
	v21 =	vshll.u32 v21, $0xA  }
0x1c5: {  	v21 =	vor.u32 v19, v21  }
0x1c6: {  	v47 =	vor.u32 v0, v21  }
0x1c7: {  	v48 =	vor.u32 v12, v26;
	_ =	sdelay $0x1  }
0x1c8: {  	v24 =	vadd.f32 v46, v22;
	_ =	sdelay $0x1  }
0x1c9: {  	[tilespmem:v47+s15+$0x0] =	vst.idx.msk $0xffff, v24  }
0x1ca: {  	v24 =	vld.idx.msk [tilespmem:v48+s13+$0x0], $0xffff;
	_ =	sdelay $0x1  }
0x1cb: {  	v49 =	vor.u32 v2, v21  }
0x1cc: {  	v50 =	vor.u32 v13, v26;
	_ =	sdelay $0x1  }
0x1cd: {  	v24 =	vadd.f32 v24, v22;
	_ =	sdelay $0x1  }
0x1ce: {  	[tilespmem:v49+s15+$0x0] =	vst.idx.msk $0xffff, v24  }
0x1cf: {  	v24 =	vld.idx.msk [tilespmem:v50+s13+$0x0], $0xffff;
	_ =	sdelay $0x1  }
0x1d0: {  	v51 =	vor.u32 v3, v21  }
0x1d1: {  	v52 =	vor.u32 v14, v26;
	_ =	sdelay $0x1  }
0x1d2: {  	v24 =	vadd.f32 v24, v22;
	_ =	sdelay $0x1  }
0x1d3: {  	[tilespmem:v51+s15+$0x0] =	vst.idx.msk $0xffff, v24  }
0x1d4: {  	v24 =	vld.idx.msk [tilespmem:v52+s13+$0x0], $0xffff;
	_ =	sdelay $0x1  }
0x1d5: {  	v53 =	vor.u32 v4, v21  }
0x1d6: {  	v54 =	vor.u32 v15, v26;
	_ =	sdelay $0x1  }
0x1d7: {  	v24 =	vadd.f32 v24, v22;
	_ =	sdelay $0x1  }
0x1d8: {  	[tilespmem:v53+s15+$0x0] =	vst.idx.msk $0xffff, v24  }
0x1d9: {  	v24 =	vld.idx.msk [tilespmem:v54+s13+$0x0], $0xffff;
	_ =	sdelay $0x1  }
0x1da: {  	v55 =	vor.u32 v5, v21  }
0x1db: {  	v56 =	vor.u32 v16, v26;
	_ =	sdelay $0x1  }
0x1dc: {  	v24 =	vadd.f32 v24, v22;
	_ =	sdelay $0x1  }
0x1dd: {  	[tilespmem:v55+s15+$0x0] =	vst.idx.msk $0xffff, v24  }
0x1de: {  	v24 =	vld.idx.msk [tilespmem:v56+s13+$0x0], $0xffff;
	_ =	sdelay $0x1  }
0x1df: {  	v57 =	vor.u32 v6, v21  }
0x1e0: {  	v58 =	vor.u32 v17, v26;
	_ =	sdelay $0x1  }
0x1e1: {  	v24 =	vadd.f32 v24, v22;
	_ =	sdelay $0x1  }
0x1e2: {  	[tilespmem:v57+s15+$0x0] =	vst.idx.msk $0xffff, v24  }
0x1e3: {  	v24 =	vld.idx.msk [tilespmem:v58+s13+$0x0], $0xffff;
	_ =	sdelay $0x1  }
0x1e4: {  	v59 =	vor.u32 v7, v21  }
0x1e5: {  	v26 =	vor.u32 v18, v26;
	_ =	sdelay $0x1  }
0x1e6: {  	v24 =	vadd.f32 v24, v22;
	_ =	sdelay $0x1  }
0x1e7: {  	[tilespmem:v59+s15+$0x0] =	vst.idx.msk $0xffff, v24  }
0x1e8: {  	v60 =	vor.u32 $0x20, v20;
	v24 =	vld.idx.msk [tilespmem:v26+s13+$0x0], $0xffff  }
0x1e9: {  	v61 =	vand.u32 $0x28, v60  }
0x1ea: {  	v21 =	vor.u32 v8, v21;
	v26 =	vor.u32 v23, v61  }
0x1eb: {  	v62 =	vor.u32 v9, v26  }
0x1ec: {  	v63 =	vor.u32 v11, v26  }
0x1ed: {  	v22 =	vadd.f32 v24, v22;
	_ =	sdelay $0x1  }
0x1ee: {  	v32 =	vshrl.u32 v60, $0x3;
	[tilespmem:v21+s15+$0x0] =	vst.idx.msk $0xffff, v22  }
0x1ef: {  	v21 =	vor.u32 v10, v32;
	v22 =	vld.idx.msk [tilespmem:v62+s9+$0x0], $0xffff  }
0x1f0: {  	v33 =	vld.idx.msk [tilespmem:v63+s13+$0x0], $0xffff;
	v21 =	vshll.u32 v21, $0xA  }
0x1f1: {  	v21 =	vor.u32 v19, v21  }
0x1f2: {  	v34 =	vor.u32 v0, v21  }
0x1f3: {  	v35 =	vor.u32 v12, v26;
	_ =	sdelay $0x1  }
0x1f4: {  	v24 =	vadd.f32 v33, v22;
	_ =	sdelay $0x1  }
0x1f5: {  	[tilespmem:v34+s15+$0x0] =	vst.idx.msk $0xffff, v24  }
0x1f6: {  	v24 =	vld.idx.msk [tilespmem:v35+s13+$0x0], $0xffff;
	_ =	sdelay $0x1  }
0x1f7: {  	v36 =	vor.u32 v2, v21  }
0x1f8: {  	v37 =	vor.u32 v13, v26;
	_ =	sdelay $0x1  }
0x1f9: {  	v24 =	vadd.f32 v24, v22;
	_ =	sdelay $0x1  }
0x1fa: {  	[tilespmem:v36+s15+$0x0] =	vst.idx.msk $0xffff, v24  }
0x1fb: {  	v24 =	vld.idx.msk [tilespmem:v37+s13+$0x0], $0xffff;
	_ =	sdelay $0x1  }
0x1fc: {  	v38 =	vor.u32 v3, v21  }
0x1fd: {  	v39 =	vor.u32 v14, v26;
	_ =	sdelay $0x1  }
0x1fe: {  	v24 =	vadd.f32 v24, v22;
	_ =	sdelay $0x1  }
0x1ff: {  	[tilespmem:v38+s15+$0x0] =	vst.idx.msk $0xffff, v24  }
0x200: {  	v24 =	vld.idx.msk [tilespmem:v39+s13+$0x0], $0xffff;
	_ =	sdelay $0x1  }
0x201: {  	v40 =	vor.u32 v4, v21  }
0x202: {  	v41 =	vor.u32 v15, v26;
	_ =	sdelay $0x1  }
0x203: {  	v24 =	vadd.f32 v24, v22;
	_ =	sdelay $0x1  }
0x204: {  	[tilespmem:v40+s15+$0x0] =	vst.idx.msk $0xffff, v24  }
0x205: {  	v24 =	vld.idx.msk [tilespmem:v41+s13+$0x0], $0xffff;
	_ =	sdelay $0x1  }
0x206: {  	v42 =	vor.u32 v5, v21  }
0x207: {  	v43 =	vor.u32 v16, v26;
	_ =	sdelay $0x1  }
0x208: {  	v24 =	vadd.f32 v24, v22;
	_ =	sdelay $0x1  }
0x209: {  	[tilespmem:v42+s15+$0x0] =	vst.idx.msk $0xffff, v24  }
0x20a: {  	v24 =	vld.idx.msk [tilespmem:v43+s13+$0x0], $0xffff;
	_ =	sdelay $0x1  }
0x20b: {  	v44 =	vor.u32 v6, v21  }
0x20c: {  	v45 =	vor.u32 v17, v26;
	_ =	sdelay $0x1  }
0x20d: {  	v24 =	vadd.f32 v24, v22;
	_ =	sdelay $0x1  }
0x20e: {  	[tilespmem:v44+s15+$0x0] =	vst.idx.msk $0xffff, v24  }
0x20f: {  	v24 =	vld.idx.msk [tilespmem:v45+s13+$0x0], $0xffff;
	_ =	sdelay $0x1  }
0x210: {  	v46 =	vor.u32 v7, v21  }
0x211: {  	v26 =	vor.u32 v18, v26;
	_ =	sdelay $0x1  }
0x212: {  	v24 =	vadd.f32 v24, v22;
	_ =	sdelay $0x1  }
0x213: {  	[tilespmem:v46+s15+$0x0] =	vst.idx.msk $0xffff, v24  }
0x214: {  	v20 =	vor.u32 $0x30, v20;
	v24 =	vld.idx.msk [tilespmem:v26+s13+$0x0], $0xffff  }
0x215: {  	v47 =	vand.u32 $0x38, v20  }
0x216: {  	v23 =	vor.u32 v23, v47;
	v21 =	vor.u32 v8, v21  }
0x217: {  	v25 =	vor.u32 v9, v23  }
0x218: {  	v48 =	vor.u32 v11, v23  }
0x219: {  	v22 =	vadd.f32 v24, v22;
	_ =	sdelay $0x1  }
0x21a: {  	v20 =	vshrl.u32 v20, $0x3;
	[tilespmem:v21+s15+$0x0] =	vst.idx.msk $0xffff, v22  }
0x21b: {  	v20 =	vor.u32 v10, v20;
	v21 =	vld.idx.msk [tilespmem:v25+s9+$0x0], $0xffff  }
0x21c: {  	v20 =	vshll.u32 v20, $0xA;
	v22 =	vld.idx.msk [tilespmem:v48+s13+$0x0], $0xffff  }
0x21d: {  	v19 =	vor.u32 v19, v20  }
0x21e: {  	v20 =	vor.u32 v0, v19  }
0x21f: {  	v49 =	vor.u32 v12, v23;
	_ =	sdelay $0x1  }
0x220: {  	v22 =	vadd.f32 v22, v21;
	_ =	sdelay $0x1  }
0x221: {  	[tilespmem:v20+s15+$0x0] =	vst.idx.msk $0xffff, v22  }
0x222: {  	v20 =	vld.idx.msk [tilespmem:v49+s13+$0x0], $0xffff;
	_ =	sdelay $0x1  }
0x223: {  	v50 =	vor.u32 v2, v19  }
0x224: {  	v51 =	vor.u32 v13, v23;
	_ =	sdelay $0x1  }
0x225: {  	v20 =	vadd.f32 v20, v21;
	_ =	sdelay $0x1  }
0x226: {  	[tilespmem:v50+s15+$0x0] =	vst.idx.msk $0xffff, v20  }
0x227: {  	v20 =	vld.idx.msk [tilespmem:v51+s13+$0x0], $0xffff;
	_ =	sdelay $0x1  }
0x228: {  	v52 =	vor.u32 v3, v19  }
0x229: {  	v53 =	vor.u32 v14, v23;
	_ =	sdelay $0x1  }
0x22a: {  	v20 =	vadd.f32 v20, v21;
	_ =	sdelay $0x1  }
0x22b: {  	[tilespmem:v52+s15+$0x0] =	vst.idx.msk $0xffff, v20  }
0x22c: {  	v20 =	vld.idx.msk [tilespmem:v53+s13+$0x0], $0xffff;
	_ =	sdelay $0x1  }
0x22d: {  	v54 =	vor.u32 v4, v19  }
0x22e: {  	v55 =	vor.u32 v15, v23;
	_ =	sdelay $0x1  }
0x22f: {  	v20 =	vadd.f32 v20, v21;
	_ =	sdelay $0x1  }
0x230: {  	[tilespmem:v54+s15+$0x0] =	vst.idx.msk $0xffff, v20  }
0x231: {  	v20 =	vld.idx.msk [tilespmem:v55+s13+$0x0], $0xffff;
	_ =	sdelay $0x1  }
0x232: {  	v56 =	vor.u32 v5, v19  }
0x233: {  	v57 =	vor.u32 v16, v23;
	_ =	sdelay $0x1  }
0x234: {  	v20 =	vadd.f32 v20, v21;
	_ =	sdelay $0x1  }
0x235: {  	[tilespmem:v56+s15+$0x0] =	vst.idx.msk $0xffff, v20  }
0x236: {  	v20 =	vld.idx.msk [tilespmem:v57+s13+$0x0], $0xffff;
	_ =	sdelay $0x1  }
0x237: {  	v58 =	vor.u32 v6, v19  }
0x238: {  	v59 =	vor.u32 v17, v23;
	_ =	sdelay $0x1  }
0x239: {  	v20 =	vadd.f32 v20, v21;
	_ =	sdelay $0x1  }
0x23a: {  	[tilespmem:v58+s15+$0x0] =	vst.idx.msk $0xffff, v20  }
0x23b: {  	v20 =	vld.idx.msk [tilespmem:v59+s13+$0x0], $0xffff;
	_ =	sdelay $0x1  }
0x23c: {  	v60 =	vor.u32 v7, v19  }
0x23d: {  	v23 =	vor.u32 v18, v23;
	_ =	sdelay $0x1  }
0x23e: {  	v20 =	vadd.f32 v20, v21;
	_ =	sdelay $0x1  }
0x23f: {  	[tilespmem:v60+s15+$0x0] =	vst.idx.msk $0xffff, v20  }
0x240: {  	s31 =	sadd.s32 $0x3, s23;
	v22 =	vld.idx.msk [tilespmem:v23+s13+$0x0], $0xffff  }
0x241: {  	v61 =	vadd.s32 s31, v0  }
0x242: {  	v19 =	vor.u32 v8, v19;
	v20 =	vand.u32 $0xF, v61  }
0x243: {  	v62 =	vor.u32 v9, v20  }
0x244: {  	v63 =	vor.u32 v11, v20  }
0x245: {  	v21 =	vadd.f32 v22, v21;
	_ =	sdelay $0x1  }
0x246: {  	[tilespmem:v19+s15+$0x0] =	vst.idx.msk $0xffff, v21;
	v19 =	vshrl.u32 v20, $0x3  }
0x247: {  	v28 =	vshll.u32 v61, $0x7;
	v21 =	vld.idx.msk [tilespmem:v62+s9+$0x0], $0xffff;
	v19 =	vor.u32 v10, v19  }
0x248: {  	v29 =	vld.idx.msk [tilespmem:v63+s13+$0x0], $0xffff;
	v30 =	vshll.u32 v19, $0xA;
	v19 =	vand.u32 $0x380, v28  }
0x249: {  	v22 =	vor.u32 v19, v30  }
0x24a: {  	v25 =	vor.u32 v0, v22  }
0x24b: {  	v31 =	vor.u32 v12, v20;
	_ =	sdelay $0x1  }
0x24c: {  	v24 =	vadd.f32 v29, v21;
	_ =	sdelay $0x1  }
0x24d: {  	[tilespmem:v25+s15+$0x0] =	vst.idx.msk $0xffff, v24  }
0x24e: {  	v24 =	vld.idx.msk [tilespmem:v31+s13+$0x0], $0xffff;
	_ =	sdelay $0x1  }
0x24f: {  	v32 =	vor.u32 v2, v22  }
0x250: {  	v33 =	vor.u32 v13, v20;
	_ =	sdelay $0x1  }
0x251: {  	v24 =	vadd.f32 v24, v21;
	_ =	sdelay $0x1  }
0x252: {  	[tilespmem:v32+s15+$0x0] =	vst.idx.msk $0xffff, v24  }
0x253: {  	v24 =	vld.idx.msk [tilespmem:v33+s13+$0x0], $0xffff;
	_ =	sdelay $0x1  }
0x254: {  	v34 =	vor.u32 v3, v22  }
0x255: {  	v35 =	vor.u32 v14, v20;
	_ =	sdelay $0x1  }
0x256: {  	v24 =	vadd.f32 v24, v21;
	_ =	sdelay $0x1  }
0x257: {  	[tilespmem:v34+s15+$0x0] =	vst.idx.msk $0xffff, v24  }
0x258: {  	v24 =	vld.idx.msk [tilespmem:v35+s13+$0x0], $0xffff;
	_ =	sdelay $0x1  }
0x259: {  	v36 =	vor.u32 v4, v22  }
0x25a: {  	v37 =	vor.u32 v15, v20;
	_ =	sdelay $0x1  }
0x25b: {  	v24 =	vadd.f32 v24, v21;
	_ =	sdelay $0x1  }
0x25c: {  	[tilespmem:v36+s15+$0x0] =	vst.idx.msk $0xffff, v24  }
0x25d: {  	v24 =	vld.idx.msk [tilespmem:v37+s13+$0x0], $0xffff;
	_ =	sdelay $0x1  }
0x25e: {  	v38 =	vor.u32 v5, v22  }
0x25f: {  	v39 =	vor.u32 v16, v20;
	_ =	sdelay $0x1  }
0x260: {  	v24 =	vadd.f32 v24, v21;
	_ =	sdelay $0x1  }
0x261: {  	[tilespmem:v38+s15+$0x0] =	vst.idx.msk $0xffff, v24  }
0x262: {  	v24 =	vld.idx.msk [tilespmem:v39+s13+$0x0], $0xffff;
	_ =	sdelay $0x1  }
0x263: {  	v40 =	vor.u32 v6, v22  }
0x264: {  	v41 =	vor.u32 v17, v20;
	_ =	sdelay $0x1  }
0x265: {  	v24 =	vadd.f32 v24, v21;
	_ =	sdelay $0x1  }
0x266: {  	[tilespmem:v40+s15+$0x0] =	vst.idx.msk $0xffff, v24  }
0x267: {  	v24 =	vld.idx.msk [tilespmem:v41+s13+$0x0], $0xffff;
	_ =	sdelay $0x1  }
0x268: {  	v42 =	vor.u32 v7, v22  }
0x269: {  	v43 =	vor.u32 v18, v20;
	_ =	sdelay $0x1  }
0x26a: {  	v24 =	vadd.f32 v24, v21;
	_ =	sdelay $0x1  }
0x26b: {  	[tilespmem:v42+s15+$0x0] =	vst.idx.msk $0xffff, v24  }
0x26c: {  	v44 =	vor.u32 $0x10, v20;
	v24 =	vld.idx.msk [tilespmem:v43+s13+$0x0], $0xffff  }
0x26d: {  	v23 =	vand.u32 $0x7, v61;
	v45 =	vand.u32 $0x18, v44  }
0x26e: {  	v26 =	vor.u32 v23, v45;
	v22 =	vor.u32 v8, v22  }
0x26f: {  	v46 =	vor.u32 v9, v26  }
0x270: {  	v47 =	vor.u32 v11, v26  }
0x271: {  	v21 =	vadd.f32 v24, v21;
	_ =	sdelay $0x1  }
0x272: {  	v48 =	vshrl.u32 v44, $0x3;
	[tilespmem:v22+s15+$0x0] =	vst.idx.msk $0xffff, v21  }
0x273: {  	v21 =	vor.u32 v10, v48;
	v22 =	vld.idx.msk [tilespmem:v46+s9+$0x0], $0xffff  }
0x274: {  	v49 =	vld.idx.msk [tilespmem:v47+s13+$0x0], $0xffff;
	v21 =	vshll.u32 v21, $0xA  }
0x275: {  	v21 =	vor.u32 v19, v21  }
0x276: {  	v50 =	vor.u32 v0, v21  }
0x277: {  	v51 =	vor.u32 v12, v26;
	_ =	sdelay $0x1  }
0x278: {  	v24 =	vadd.f32 v49, v22;
	_ =	sdelay $0x1  }
0x279: {  	[tilespmem:v50+s15+$0x0] =	vst.idx.msk $0xffff, v24  }
0x27a: {  	v24 =	vld.idx.msk [tilespmem:v51+s13+$0x0], $0xffff;
	_ =	sdelay $0x1  }
0x27b: {  	v52 =	vor.u32 v2, v21  }
0x27c: {  	v53 =	vor.u32 v13, v26;
	_ =	sdelay $0x1  }
0x27d: {  	v24 =	vadd.f32 v24, v22;
	_ =	sdelay $0x1  }
0x27e: {  	[tilespmem:v52+s15+$0x0] =	vst.idx.msk $0xffff, v24  }
0x27f: {  	v24 =	vld.idx.msk [tilespmem:v53+s13+$0x0], $0xffff;
	_ =	sdelay $0x1  }
0x280: {  	v54 =	vor.u32 v3, v21  }
0x281: {  	v55 =	vor.u32 v14, v26;
	_ =	sdelay $0x1  }
0x282: {  	v24 =	vadd.f32 v24, v22;
	_ =	sdelay $0x1  }
0x283: {  	[tilespmem:v54+s15+$0x0] =	vst.idx.msk $0xffff, v24  }
0x284: {  	v24 =	vld.idx.msk [tilespmem:v55+s13+$0x0], $0xffff;
	_ =	sdelay $0x1  }
0x285: {  	v56 =	vor.u32 v4, v21  }
0x286: {  	v57 =	vor.u32 v15, v26;
	_ =	sdelay $0x1  }
0x287: {  	v24 =	vadd.f32 v24, v22;
	_ =	sdelay $0x1  }
0x288: {  	[tilespmem:v56+s15+$0x0] =	vst.idx.msk $0xffff, v24  }
0x289: {  	v24 =	vld.idx.msk [tilespmem:v57+s13+$0x0], $0xffff;
	_ =	sdelay $0x1  }
0x28a: {  	v58 =	vor.u32 v5, v21  }
0x28b: {  	v59 =	vor.u32 v16, v26;
	_ =	sdelay $0x1  }
0x28c: {  	v24 =	vadd.f32 v24, v22;
	_ =	sdelay $0x1  }
0x28d: {  	[tilespmem:v58+s15+$0x0] =	vst.idx.msk $0xffff, v24  }
0x28e: {  	v24 =	vld.idx.msk [tilespmem:v59+s13+$0x0], $0xffff;
	_ =	sdelay $0x1  }
0x28f: {  	v60 =	vor.u32 v6, v21  }
0x290: {  	v61 =	vor.u32 v17, v26;
	_ =	sdelay $0x1  }
0x291: {  	v24 =	vadd.f32 v24, v22;
	_ =	sdelay $0x1  }
0x292: {  	[tilespmem:v60+s15+$0x0] =	vst.idx.msk $0xffff, v24  }
0x293: {  	v24 =	vld.idx.msk [tilespmem:v61+s13+$0x0], $0xffff;
	_ =	sdelay $0x1  }
0x294: {  	v62 =	vor.u32 v7, v21  }
0x295: {  	v26 =	vor.u32 v18, v26;
	_ =	sdelay $0x1  }
0x296: {  	v24 =	vadd.f32 v24, v22;
	_ =	sdelay $0x1  }
0x297: {  	[tilespmem:v62+s15+$0x0] =	vst.idx.msk $0xffff, v24  }
0x298: {  	v63 =	vor.u32 $0x20, v20;
	v24 =	vld.idx.msk [tilespmem:v26+s13+$0x0], $0xffff  }
0x299: {  	v32 =	vand.u32 $0x28, v63  }
0x29a: {  	v21 =	vor.u32 v8, v21;
	v26 =	vor.u32 v23, v32  }
0x29b: {  	v33 =	vor.u32 v9, v26  }
0x29c: {  	v34 =	vor.u32 v11, v26  }
0x29d: {  	v22 =	vadd.f32 v24, v22;
	_ =	sdelay $0x1  }
0x29e: {  	v35 =	vshrl.u32 v63, $0x3;
	[tilespmem:v21+s15+$0x0] =	vst.idx.msk $0xffff, v22  }
0x29f: {  	v21 =	vor.u32 v10, v35;
	v22 =	vld.idx.msk [tilespmem:v33+s9+$0x0], $0xffff  }
0x2a0: {  	v36 =	vld.idx.msk [tilespmem:v34+s13+$0x0], $0xffff;
	v21 =	vshll.u32 v21, $0xA  }
0x2a1: {  	v21 =	vor.u32 v19, v21  }
0x2a2: {  	v37 =	vor.u32 v0, v21  }
0x2a3: {  	v38 =	vor.u32 v12, v26;
	_ =	sdelay $0x1  }
0x2a4: {  	v24 =	vadd.f32 v36, v22;
	_ =	sdelay $0x1  }
0x2a5: {  	[tilespmem:v37+s15+$0x0] =	vst.idx.msk $0xffff, v24  }
0x2a6: {  	v24 =	vld.idx.msk [tilespmem:v38+s13+$0x0], $0xffff;
	_ =	sdelay $0x1  }
0x2a7: {  	v39 =	vor.u32 v2, v21  }
0x2a8: {  	v40 =	vor.u32 v13, v26;
	_ =	sdelay $0x1  }
0x2a9: {  	v24 =	vadd.f32 v24, v22;
	_ =	sdelay $0x1  }
0x2aa: {  	[tilespmem:v39+s15+$0x0] =	vst.idx.msk $0xffff, v24  }
0x2ab: {  	v24 =	vld.idx.msk [tilespmem:v40+s13+$0x0], $0xffff;
	_ =	sdelay $0x1  }
0x2ac: {  	v41 =	vor.u32 v3, v21  }
0x2ad: {  	v42 =	vor.u32 v14, v26;
	_ =	sdelay $0x1  }
0x2ae: {  	v24 =	vadd.f32 v24, v22;
	_ =	sdelay $0x1  }
0x2af: {  	[tilespmem:v41+s15+$0x0] =	vst.idx.msk $0xffff, v24  }
0x2b0: {  	v24 =	vld.idx.msk [tilespmem:v42+s13+$0x0], $0xffff;
	_ =	sdelay $0x1  }
0x2b1: {  	v43 =	vor.u32 v4, v21  }
0x2b2: {  	v44 =	vor.u32 v15, v26;
	_ =	sdelay $0x1  }
0x2b3: {  	v24 =	vadd.f32 v24, v22;
	_ =	sdelay $0x1  }
0x2b4: {  	[tilespmem:v43+s15+$0x0] =	vst.idx.msk $0xffff, v24  }
0x2b5: {  	v24 =	vld.idx.msk [tilespmem:v44+s13+$0x0], $0xffff;
	_ =	sdelay $0x1  }
0x2b6: {  	v45 =	vor.u32 v5, v21  }
0x2b7: {  	v46 =	vor.u32 v16, v26;
	_ =	sdelay $0x1  }
0x2b8: {  	v24 =	vadd.f32 v24, v22;
	_ =	sdelay $0x1  }
0x2b9: {  	[tilespmem:v45+s15+$0x0] =	vst.idx.msk $0xffff, v24  }
0x2ba: {  	v24 =	vld.idx.msk [tilespmem:v46+s13+$0x0], $0xffff;
	_ =	sdelay $0x1  }
0x2bb: {  	v47 =	vor.u32 v6, v21  }
0x2bc: {  	v48 =	vor.u32 v17, v26;
	_ =	sdelay $0x1  }
0x2bd: {  	v24 =	vadd.f32 v24, v22;
	_ =	sdelay $0x1  }
0x2be: {  	[tilespmem:v47+s15+$0x0] =	vst.idx.msk $0xffff, v24  }
0x2bf: {  	v24 =	vld.idx.msk [tilespmem:v48+s13+$0x0], $0xffff;
	_ =	sdelay $0x1  }
0x2c0: {  	v49 =	vor.u32 v7, v21  }
0x2c1: {  	v26 =	vor.u32 v18, v26;
	_ =	sdelay $0x1  }
0x2c2: {  	v24 =	vadd.f32 v24, v22;
	_ =	sdelay $0x1  }
0x2c3: {  	[tilespmem:v49+s15+$0x0] =	vst.idx.msk $0xffff, v24  }
0x2c4: {  	v20 =	vor.u32 $0x30, v20;
	v24 =	vld.idx.msk [tilespmem:v26+s13+$0x0], $0xffff  }
0x2c5: {  	v50 =	vand.u32 $0x38, v20  }
0x2c6: {  	v23 =	vor.u32 v23, v50;
	v21 =	vor.u32 v8, v21  }
0x2c7: {  	v25 =	vor.u32 v9, v23  }
0x2c8: {  	v51 =	vor.u32 v11, v23  }
0x2c9: {  	v22 =	vadd.f32 v24, v22;
	_ =	sdelay $0x1  }
0x2ca: {  	v20 =	vshrl.u32 v20, $0x3;
	[tilespmem:v21+s15+$0x0] =	vst.idx.msk $0xffff, v22  }
0x2cb: {  	v20 =	vor.u32 v10, v20;
	v21 =	vld.idx.msk [tilespmem:v25+s9+$0x0], $0xffff  }
0x2cc: {  	v20 =	vshll.u32 v20, $0xA;
	v22 =	vld.idx.msk [tilespmem:v51+s13+$0x0], $0xffff  }
0x2cd: {  	v19 =	vor.u32 v19, v20  }
0x2ce: {  	v20 =	vor.u32 v0, v19  }
0x2cf: {  	v52 =	vor.u32 v12, v23;
	_ =	sdelay $0x1  }
0x2d0: {  	v22 =	vadd.f32 v22, v21;
	_ =	sdelay $0x1  }
0x2d1: {  	[tilespmem:v20+s15+$0x0] =	vst.idx.msk $0xffff, v22  }
0x2d2: {  	v20 =	vld.idx.msk [tilespmem:v52+s13+$0x0], $0xffff;
	_ =	sdelay $0x1  }
0x2d3: {  	v53 =	vor.u32 v2, v19  }
0x2d4: {  	v54 =	vor.u32 v13, v23;
	_ =	sdelay $0x1  }
0x2d5: {  	v20 =	vadd.f32 v20, v21;
	_ =	sdelay $0x1  }
0x2d6: {  	[tilespmem:v53+s15+$0x0] =	vst.idx.msk $0xffff, v20  }
0x2d7: {  	v20 =	vld.idx.msk [tilespmem:v54+s13+$0x0], $0xffff;
	_ =	sdelay $0x1  }
0x2d8: {  	v55 =	vor.u32 v3, v19  }
0x2d9: {  	v56 =	vor.u32 v14, v23;
	_ =	sdelay $0x1  }
0x2da: {  	v20 =	vadd.f32 v20, v21;
	_ =	sdelay $0x1  }
0x2db: {  	[tilespmem:v55+s15+$0x0] =	vst.idx.msk $0xffff, v20  }
0x2dc: {  	v20 =	vld.idx.msk [tilespmem:v56+s13+$0x0], $0xffff;
	_ =	sdelay $0x1  }
0x2dd: {  	v57 =	vor.u32 v4, v19  }
0x2de: {  	v58 =	vor.u32 v15, v23;
	_ =	sdelay $0x1  }
0x2df: {  	v20 =	vadd.f32 v20, v21;
	_ =	sdelay $0x1  }
0x2e0: {  	[tilespmem:v57+s15+$0x0] =	vst.idx.msk $0xffff, v20  }
0x2e1: {  	v20 =	vld.idx.msk [tilespmem:v58+s13+$0x0], $0xffff;
	_ =	sdelay $0x1  }
0x2e2: {  	v59 =	vor.u32 v5, v19  }
0x2e3: {  	v60 =	vor.u32 v16, v23;
	_ =	sdelay $0x1  }
0x2e4: {  	v20 =	vadd.f32 v20, v21;
	_ =	sdelay $0x1  }
0x2e5: {  	[tilespmem:v59+s15+$0x0] =	vst.idx.msk $0xffff, v20  }
0x2e6: {  	v20 =	vld.idx.msk [tilespmem:v60+s13+$0x0], $0xffff;
	_ =	sdelay $0x1  }
0x2e7: {  	v61 =	vor.u32 v6, v19  }
0x2e8: {  	v62 =	vor.u32 v17, v23;
	_ =	sdelay $0x1  }
0x2e9: {  	v20 =	vadd.f32 v20, v21;
	_ =	sdelay $0x1  }
0x2ea: {  	[tilespmem:v61+s15+$0x0] =	vst.idx.msk $0xffff, v20  }
0x2eb: {  	v20 =	vld.idx.msk [tilespmem:v62+s13+$0x0], $0xffff;
	_ =	sdelay $0x1  }
0x2ec: {  	v63 =	vor.u32 v7, v19  }
0x2ed: {  	v23 =	vor.u32 v18, v23;
	_ =	sdelay $0x1  }
0x2ee: {  	v20 =	vadd.f32 v20, v21;
	_ =	sdelay $0x1  }
0x2ef: {  	[tilespmem:v63+s15+$0x0] =	vst.idx.msk $0xffff, v20  }
0x2f0: {  	v20 =	vld.idx.msk [tilespmem:v23+s13+$0x0], $0xffff;
	_ =	sdelay $0x1  }
0x2f1: {  	p0 =	sne.s32 s23, $0xC;
	v19 =	vor.u32 v8, v19  }
.Ltmp2:
0x2f2: {  	_ = 	snop;
	(pc) =	sbr.rel @p0 .LBB2_7-.Ltmp2, $3  }
0x2f3: {  	_ = 	snop  }
0x2f4: {  	v20 =	vadd.f32 v20, v21;
	_ =	sdelay $0x1  }
0x2f5: {  	s23 =	sadd.s32 $0x4, s23;
	[tilespmem:v19+s15+$0x0] =	vst.idx.msk $0xffff, v20  }
0x2f6: {  	s20 =	sadd.s32 $0x1, s20  }
0x2f7: {  	p0 =	sne.s32 s20, $0x32  }
.Ltmp3:
0x2f8: {  	_ = 	snop;
	(pc) =	sbr.rel @p0 .LBB2_6-.Ltmp3, $4  }
0x2f9: {  	_ = 	snop  }
0x2fa: {  	s22 =	sshll.u32 s22, $0xD;
	s21 =	sshll.u32 s21, $0xD  }
0x2fb: {  	s22 =	sadd.s32 s22, s6;
	s21 =	sadd.s32 $0x6580, s21  }
0x2fc: {  	[hbm4b:s22+s16] =	stream.strided.scatter [tilespmem:s21], [sflag:$0x3], $0x2000, s17, s16, $0x38;
	[tilespmem:$0xA580] =	vst v63  }
0x2fd: {  	s19 =	sadd.s32 $0x1, s19  }
0x2fe: {  	_ =	swait.ge [sflag:s18], $0x2000;
	p0 =	sne.s32 s19, s7  }
.Ltmp4:
0x2ff: {  	[sflag:s18] =	ssyncset.done $0x0;
	(pc) =	sbr.rel @p0 .LBB2_1-.Ltmp4, $4  }
0x300: {  	[sflag:s18] =	ssyncadd.s32 $0xFFFFE000  }
0x301: {  	_ =	swait.ge [sflag:s18], $0x2000  }
0x302: {  	[sflag:s18] =	ssyncset.done $0x0  }
0x303: {  	[sflag:s18] =	ssyncadd.s32 $0xFFFFE000  }
0x304: {  	_ =	sfence.sel $0x180000  }
0x305: {  	[bflag:$0x0] =	sbarrier.arrive $0xFFFF  }
0x306: {  	p0 =	sne.s32 s1, $0x0;
	_ =	strace $0x90000047  }
0x307: {  	s0 =	sadd.s32 @!p0 $0x100000, s0;
	[bflag:$0x2] =	sbarrier.arrive $0xFFFF  }
0x308: {  	[sflag:s0] =	ssyncadd.tile.s32 @!p0 $0x1;
	_ =	shalt  }
.Lfunc_end2:
_tile_overlayer_lowered:
.L_overlay_start_2:
0x309: {  	(tag) =	ssettag $0x2  }
0x30a: {  	s0 =	rddreg [dreg:$0x0];
	s2 =	stileid.u32  }
0x30b: {  	s1 =	rddreg [dreg:$0x1];
	p0 =	sne.s32 s2, $0x0  }
0x30c: {  	s3 =	rddreg [dreg:$0x2];
	[bflag:$0x3] =	sbarrier.arrive $0xFFFF;
	s2 =	simm.s32 @!p0 $0x1C04  }
0x30d: {  	[timem:s3], [sflag:s2] =	dma.local @!p0 [hbm:s0], s1  }
0x30e: {  	s0 =	simm.s32 @!p0 $0x4  }
0x30f: {  	_ =	swait.ge @!p0 [sflag:s0], s1  }
0x310: {  	s1 =	ssub.s32 @!p0 $0x0, s1;
	[sflag:s0] =	ssyncset.done @!p0 $0x0  }
0x311: {  	[sflag:s0] =	ssyncadd.s32 @!p0 s1  }
0x312: {  	[bflag:$0x3] =	sbarrier.arrive $0xFFFF  }
0x313: {  	_ =	shalt  }

</sc_bundles>
